<compile_context>
chip_gen: v7x
topology: tpu7x:2x2x1
jax: 0.10.2.dev20260603
libtpu: 0.0.44.dev20260713+nightly
codegen_flags: <defaults>
</compile_context>

<pallas_src>
import functools
import math

import jax
import jax.numpy as jnp
from jax import lax
from jax.experimental import pallas as pl
from jax.experimental.pallas import tpu as pltpu
from jax.experimental.pallas import tpu_sc as plsc

D_MODEL = 64
SCALE = math.sqrt(D_MODEL)

NC = 2
NS = 16
NW = NC * NS

SB = 128
NBUF = 4
LANES = 16


def _emb_body(x4_hbm, table_hbm, out_hbm, idx_v, bufs, gsems):
    wid = lax.axis_index("s") * NC + lax.axis_index("c")
    ntok = x4_hbm.shape[0] * x4_hbm.shape[2]
    seq0 = wid * SB

    pltpu.sync_copy(x4_hbm.at[:, wid], idx_v)

    def start_gather(b, t):
        rb = t // 8
        rr = t % 8
        pltpu.async_copy(table_hbm.at[idx_v.at[rb, rr]], bufs[b], gsems[b])

    for b in range(NBUF - 1):
        start_gather(b, b)

    def round_body(r):
        for b in range(NBUF):
            t = r * NBUF + b

            rb = t // 8
            rr = t % 8
            pltpu.make_async_copy(table_hbm.at[idx_v.at[rb, rr]], bufs[b],
                                  gsems[b]).wait()

            def scale_row(row, _):
                for c in range(D_MODEL // LANES):
                    sl = pl.ds(c * LANES, LANES)
                    bufs[b][row, sl] = bufs[b][row, sl] * SCALE
                return 0

            lax.fori_loop(0, SB, scale_row, 0, unroll=4)

            pltpu.sync_copy(bufs[b], out_hbm.at[pl.ds(seq0, SB), t])

            bp = (b - 1) % NBUF

            @pl.when(t + NBUF - 1 < ntok)
            def _():
                start_gather(bp, t + NBUF - 1)

    pl.loop(0, ntok // NBUF)(round_body)


@jax.jit
def _emb_call(x4, table):
    ntok = x4.shape[0] * x4.shape[2]
    nseq = x4.shape[1] * x4.shape[3]
    mesh = plsc.VectorSubcoreMesh(core_axis_name="c", subcore_axis_name="s",
                                  num_cores=NC, num_subcores=NS)
    scratch = (
        [pltpu.VMEM((x4.shape[0], x4.shape[2], SB), jnp.int32)]
        + [[pltpu.VMEM((SB, D_MODEL), jnp.float32) for _ in range(NBUF)]]
        + [[pltpu.SemaphoreType.DMA for _ in range(NBUF)]]
    )
    kern = pl.kernel(
        _emb_body,
        out_type=jax.ShapeDtypeStruct((nseq, ntok, D_MODEL), jnp.float32),
        mesh=mesh,
        scratch_types=scratch,
        compiler_params=pltpu.CompilerParams(use_tc_tiling_on_sc=False),
    )
    return kern(x4, table)


def kernel(x, table):
    nseq, ntok = x.shape
    x4 = x.T.reshape(ntok // 8, 8, nseq // SB, SB).transpose(0, 2, 1, 3)
    return _emb_call(x4, table)

# --- scband reference (transcript-rebuilt; emitter-appended) ---
"""Pipeline reference for scband-input-embeddings-65764539236726 (READ-ONLY COPY).

The authoritative reference and input builder live on the scoring server;
editing this copy changes nothing except your own understanding.
"""

import jax, jax.numpy as jnp
import numpy as np
import math

D_MODEL = 64
VOCAB_SIZE = 1000000

def setup_inputs(seed: int = 0) -> dict:
    key = jax.random.key(seed)
    k1, k2 = jax.random.split(key)
    x = jax.random.randint(k1, (4096, 200), 0, VOCAB_SIZE, dtype=jnp.int64 if jax.config.jax_enable_x64 else jnp.int32).astype(jnp.int32)
    table = jax.random.normal(k2, (VOCAB_SIZE, D_MODEL), dtype=jnp.float32)
    return {"x": x, "table": table}

def reference(x, table):
    # nn.Embedding lookup followed by scaling by sqrt(d_model)
    emb = jnp.take(table, x, axis=0)
    return emb * math.sqrt(D_MODEL)

if __name__ == "__main__":
    import jax
    _d = setup_inputs()
    print(jax.jit(kernel)(*tuple(_d.values())))

</pallas_src>

<mosaic_0001>
#map = affine_map<(d0, d1) -> (0, 0, 0, 0)>
#map1 = affine_map<(d0, d1) -> (0, 0)>
#map2 = affine_map<(d0, d1) -> (0, 0, 0)>
module attributes {stable_mosaic.version = 14 : i64} {
  func.func @_emb_body(%arg0: i32, %arg1: i32, %arg2: memref<25x32x8x128xi32, #tpu.memory_space<hbm>>, %arg3: memref<1000000x64xf32, #tpu.memory_space<hbm>>, %arg4: memref<4096x200x64xf32, #tpu.memory_space<hbm>>, %arg5: memref<25x8x128xi32, #tpu.memory_space<vmem>>, %arg6: memref<128x64xf32, #tpu.memory_space<vmem>>, %arg7: memref<128x64xf32, #tpu.memory_space<vmem>>, %arg8: memref<128x64xf32, #tpu.memory_space<vmem>>, %arg9: memref<128x64xf32, #tpu.memory_space<vmem>>, %arg10: memref<!tpu.dma_semaphore, #tpu.memory_space<semaphore_mem>>, %arg11: memref<!tpu.dma_semaphore, #tpu.memory_space<semaphore_mem>>, %arg12: memref<!tpu.dma_semaphore, #tpu.memory_space<semaphore_mem>>, %arg13: memref<!tpu.dma_semaphore, #tpu.memory_space<semaphore_mem>>) attributes {dimension_semantics = [#tpu.dimension_semantics<core_parallel>, #tpu.dimension_semantics<subcore_parallel>], iteration_bounds = array<i64: 2, 16>, scalar_prefetch = 0 : i64, scratch_operands = 9 : i64, tpu.core_type = #tpu.core_type<sc_vector_subcore>, window_params = [{transform_indices = #map}, {transform_indices = #map1}, {transform_indices = #map2}]} {
    %mul3A = arith.constant 2 : i32
    %mul3A_0 = arith.muli %arg1, %mul3A : i32
    %add3A = arith.addi %mul3A_0, %arg0 : i32
    %mul3A_1 = arith.constant 128 : i32
    %mul3A_2 = arith.muli %add3A, %mul3A_1 : i32
    "tpu.region"() ({
      %run_scoped3A = tpu.sem_alloc : memref<!tpu.dma_semaphore, #tpu.memory_space<semaphore_mem>>
      %dma_start3A_30 = arith.constant 0 : i32
      %dma_start3A_31 = arith.constant 0 : i32
      %dma_start3A_32 = arith.constant 0 : i32
      %dma_start3A_33 = tpu.memref_slice %arg2[%dma_start3A_30, %add3A, %dma_start3A_31, %dma_start3A_32] : memref<25x32x8x128xi32, #tpu.memory_space<hbm>> -> memref<25x1x8x128xi32, #tpu.memory_space<hbm>>
      %dma_start3A_34 = tpu.memref_squeeze %dma_start3A_33 : memref<25x1x8x128xi32, #tpu.memory_space<hbm>> -> memref<25x8x128xi32, #tpu.memory_space<hbm>>
      %dma_start3A_35 = arith.constant 0 : i32
      %dma_start3A_36 = arith.constant 0 : i32
      %dma_start3A_37 = arith.constant 0 : i32
      %dma_start3A_38 = tpu.memref_slice %arg2[%dma_start3A_35, %add3A, %dma_start3A_36, %dma_start3A_37] : memref<25x32x8x128xi32, #tpu.memory_space<hbm>> -> memref<25x1x8x128xi32, #tpu.memory_space<hbm>>
      %dma_start3A_39 = tpu.memref_squeeze %dma_start3A_38 : memref<25x1x8x128xi32, #tpu.memory_space<hbm>> -> memref<25x8x128xi32, #tpu.memory_space<hbm>>
      tpu.enqueue_dma source(%dma_start3A_39 : memref<25x8x128xi32, #tpu.memory_space<hbm>>) target(%arg5 : memref<25x8x128xi32, #tpu.memory_space<vmem>>) target_semaphore(%run_scoped3A : memref<!tpu.dma_semaphore, #tpu.memory_space<semaphore_mem>>)
      %dma_wait3A = arith.constant 0 : i32
      %dma_wait3A_40 = arith.constant 0 : i32
      %dma_wait3A_41 = arith.constant 0 : i32
      %dma_wait3A_42 = tpu.memref_slice %arg2[%dma_wait3A, %add3A, %dma_wait3A_40, %dma_wait3A_41] : memref<25x32x8x128xi32, #tpu.memory_space<hbm>> -> memref<25x1x8x128xi32, #tpu.memory_space<hbm>>
      %dma_wait3A_43 = tpu.memref_squeeze %dma_wait3A_42 : memref<25x1x8x128xi32, #tpu.memory_space<hbm>> -> memref<25x8x128xi32, #tpu.memory_space<hbm>>
      %dma_wait3A_44 = arith.constant 0 : i32
      %dma_wait3A_45 = arith.constant 0 : i32
      %dma_wait3A_46 = arith.constant 0 : i32
      %dma_wait3A_47 = tpu.memref_slice %arg2[%dma_wait3A_44, %add3A, %dma_wait3A_45, %dma_wait3A_46] : memref<25x32x8x128xi32, #tpu.memory_space<hbm>> -> memref<25x1x8x128xi32, #tpu.memory_space<hbm>>
      %dma_wait3A_48 = tpu.memref_squeeze %dma_wait3A_47 : memref<25x1x8x128xi32, #tpu.memory_space<hbm>> -> memref<25x8x128xi32, #tpu.memory_space<hbm>>
      tpu.wait_dma2 semaphore(%run_scoped3A : memref<!tpu.dma_semaphore, #tpu.memory_space<semaphore_mem>>) src(%dma_wait3A_48 : memref<25x8x128xi32, #tpu.memory_space<hbm>>) dst(%arg5 : memref<25x8x128xi32, #tpu.memory_space<vmem>>)
      tpu.yield
    }) : () -> ()
    %dma_start3A = arith.constant 0 : i32
    %dma_start3A_3 = arith.constant 0 : i32
    %dma_start3A_4 = arith.constant 0 : i32
    %dma_start3A_5 = tpu.memref_slice %arg5[%dma_start3A, %dma_start3A_3, %dma_start3A_4] : memref<25x8x128xi32, #tpu.memory_space<vmem>> -> memref<1x1x128xi32, #tpu.memory_space<vmem>>
    %dma_start3A_6 = tpu.memref_squeeze %dma_start3A_5 : memref<1x1x128xi32, #tpu.memory_space<vmem>> -> memref<128xi32, #tpu.memory_space<vmem>>
    %dma_start3A_7 = arith.constant 0 : i32
    %dma_start3A_8 = arith.constant 0 : i32
    %dma_start3A_9 = tpu.memref_slice %arg3[%dma_start3A_7, %dma_start3A_8] : memref<1000000x64xf32, #tpu.memory_space<hbm>> -> memref<1000000x64xf32, #tpu.memory_space<hbm>>
    tpu.enqueue_indirect_dma source(%dma_start3A_9 : memref<1000000x64xf32, #tpu.memory_space<hbm>>) target(%arg6 : memref<128x64xf32, #tpu.memory_space<vmem>>) offsets(%dma_start3A_6 : memref<128xi32, #tpu.memory_space<vmem>>) semaphore(%arg10 : memref<!tpu.dma_semaphore, #tpu.memory_space<semaphore_mem>>)
    %dma_start3A_10 = arith.constant 0 : i32
    %dma_start3A_11 = arith.constant 1 : i32
    %dma_start3A_12 = arith.constant 0 : i32
    %dma_start3A_13 = tpu.memref_slice %arg5[%dma_start3A_10, %dma_start3A_11, %dma_start3A_12] : memref<25x8x128xi32, #tpu.memory_space<vmem>> -> memref<1x1x128xi32, #tpu.memory_space<vmem>>
    %dma_start3A_14 = tpu.memref_squeeze %dma_start3A_13 : memref<1x1x128xi32, #tpu.memory_space<vmem>> -> memref<128xi32, #tpu.memory_space<vmem>>
    %dma_start3A_15 = arith.constant 0 : i32
    %dma_start3A_16 = arith.constant 0 : i32
    %dma_start3A_17 = tpu.memref_slice %arg3[%dma_start3A_15, %dma_start3A_16] : memref<1000000x64xf32, #tpu.memory_space<hbm>> -> memref<1000000x64xf32, #tpu.memory_space<hbm>>
    tpu.enqueue_indirect_dma source(%dma_start3A_17 : memref<1000000x64xf32, #tpu.memory_space<hbm>>) target(%arg7 : memref<128x64xf32, #tpu.memory_space<vmem>>) offsets(%dma_start3A_14 : memref<128xi32, #tpu.memory_space<vmem>>) semaphore(%arg11 : memref<!tpu.dma_semaphore, #tpu.memory_space<semaphore_mem>>)
    %dma_start3A_18 = arith.constant 0 : i32
    %dma_start3A_19 = arith.constant 2 : i32
    %dma_start3A_20 = arith.constant 0 : i32
    %dma_start3A_21 = tpu.memref_slice %arg5[%dma_start3A_18, %dma_start3A_19, %dma_start3A_20] : memref<25x8x128xi32, #tpu.memory_space<vmem>> -> memref<1x1x128xi32, #tpu.memory_space<vmem>>
    %dma_start3A_22 = tpu.memref_squeeze %dma_start3A_21 : memref<1x1x128xi32, #tpu.memory_space<vmem>> -> memref<128xi32, #tpu.memory_space<vmem>>
    %dma_start3A_23 = arith.constant 0 : i32
    %dma_start3A_24 = arith.constant 0 : i32
    %dma_start3A_25 = tpu.memref_slice %arg3[%dma_start3A_23, %dma_start3A_24] : memref<1000000x64xf32, #tpu.memory_space<hbm>> -> memref<1000000x64xf32, #tpu.memory_space<hbm>>
    tpu.enqueue_indirect_dma source(%dma_start3A_25 : memref<1000000x64xf32, #tpu.memory_space<hbm>>) target(%arg8 : memref<128x64xf32, #tpu.memory_space<vmem>>) offsets(%dma_start3A_22 : memref<128xi32, #tpu.memory_space<vmem>>) semaphore(%arg12 : memref<!tpu.dma_semaphore, #tpu.memory_space<semaphore_mem>>)
    %scan3A = arith.constant 0 : i32
    %scan3A_26 = arith.constant 50 : i32
    %scan3A_27 = arith.addi %scan3A, %scan3A_26 : i32
    %scan3A_28 = arith.constant 1 : i32
    scf.for %scan3A_30 = %scan3A to %scan3A_27 step %scan3A_28  : i32 {
      %mul3A_31 = arith.constant 1 : i32
      %mul3A_32 = arith.muli %scan3A_30, %mul3A_31 : i32
      %add3A_33 = arith.constant 0 : i32
      %add3A_34 = arith.addi %add3A_33, %mul3A_32 : i32
      %mul3A_35 = arith.constant 4 : i32
      %mul3A_36 = arith.muli %add3A_34, %mul3A_35 : i32
      %add3A_37 = arith.constant 0 : i32
      %add3A_38 = arith.addi %mul3A_36, %add3A_37 : i32
      %jit3A = arith.constant 8 : i32
      %div3A = arith.divsi %add3A_38, %jit3A : i32
      %sign3A = arith.constant 0 : i32
      %sign3A_39 = arith.cmpi sgt, %add3A_38, %sign3A : i32
      %sign3A_40 = arith.extui %sign3A_39 : i1 to i32
      %sign3A_41 = arith.constant 0 : i32
      %sign3A_42 = arith.cmpi slt, %add3A_38, %sign3A_41 : i32
      %sign3A_43 = arith.extui %sign3A_42 : i1 to i32
      %sign3A_44 = arith.subi %sign3A_40, %sign3A_43 : i32
      %sign3A_45 = arith.constant 0 : i32
      %sign3A_46 = arith.cmpi sgt, %jit3A, %sign3A_45 : i32
      %sign3A_47 = arith.extui %sign3A_46 : i1 to i32
      %sign3A_48 = arith.constant 0 : i32
      %sign3A_49 = arith.cmpi slt, %jit3A, %sign3A_48 : i32
      %sign3A_50 = arith.extui %sign3A_49 : i1 to i32
      %sign3A_51 = arith.subi %sign3A_47, %sign3A_50 : i32
      %ne3A = arith.cmpi ne, %sign3A_44, %sign3A_51 : i32
      %rem3A = arith.remsi %add3A_38, %jit3A : i32
      %ne3A_52 = arith.constant 0 : i32
      %ne3A_53 = arith.cmpi ne, %rem3A, %ne3A_52 : i32
      %and3A = arith.andi %ne3A, %ne3A_53 : i1
      %sub3A = arith.constant 1 : i32
      %sub3A_54 = arith.subi %div3A, %sub3A : i32
      %select_n3A = arith.select %and3A, %sub3A_54, %div3A : i32
      %jit3A_55 = arith.constant 8 : i32
      %eq3A = arith.constant 0 : i32
      %eq3A_56 = arith.cmpi eq, %jit3A_55, %eq3A : i32
      %jit3A_57 = arith.constant 1 : i32
      %select_n3A_58 = arith.select %eq3A_56, %jit3A_57, %jit3A_55 : i32
      %rem3A_59 = arith.remsi %add3A_38, %select_n3A_58 : i32
      %ne3A_60 = arith.constant 0 : i32
      %ne3A_61 = arith.cmpi ne, %rem3A_59, %ne3A_60 : i32
      %lt3A = arith.constant 0 : i32
      %lt3A_62 = arith.cmpi slt, %rem3A_59, %lt3A : i32
      %lt3A_63 = arith.constant 0 : i32
      %lt3A_64 = arith.cmpi slt, %select_n3A_58, %lt3A_63 : i32
      %ne3A_65 = arith.xori %lt3A_62, %lt3A_64 : i1
      %and3A_66 = arith.andi %ne3A_65, %ne3A_61 : i1
      %add3A_67 = arith.addi %rem3A_59, %select_n3A_58 : i32
      %select_n3A_68 = arith.select %and3A_66, %add3A_67, %rem3A_59 : i32
      %dma_wait3A = arith.constant 0 : i32
      %dma_wait3A_69 = tpu.memref_slice %arg5[%select_n3A, %select_n3A_68, %dma_wait3A] : memref<25x8x128xi32, #tpu.memory_space<vmem>> -> memref<1x1x128xi32, #tpu.memory_space<vmem>>
      %dma_wait3A_70 = tpu.memref_squeeze %dma_wait3A_69 : memref<1x1x128xi32, #tpu.memory_space<vmem>> -> memref<128xi32, #tpu.memory_space<vmem>>
      %dma_wait3A_71 = arith.constant 0 : i32
      %dma_wait3A_72 = arith.constant 0 : i32
      %dma_wait3A_73 = tpu.memref_slice %arg3[%dma_wait3A_71, %dma_wait3A_72] : memref<1000000x64xf32, #tpu.memory_space<hbm>> -> memref<1000000x64xf32, #tpu.memory_space<hbm>>
      tpu.wait_indirect_dma semaphore(%arg10 : memref<!tpu.dma_semaphore, #tpu.memory_space<semaphore_mem>>) src(%dma_wait3A_73 : memref<1000000x64xf32, #tpu.memory_space<hbm>>) dst(%arg6 : memref<128x64xf32, #tpu.memory_space<vmem>>)
      %scan3A_74 = arith.constant 0 : i32
      %scan3A_75 = arith.constant 0 : i32
      %scan3A_76 = arith.constant 128 : i32
      %scan3A_77 = arith.addi %scan3A_75, %scan3A_76 : i32
      %scan3A_78 = arith.constant 4 : i32
      %scan3A_79 = scf.for %scan3A_286 = %scan3A_75 to %scan3A_77 step %scan3A_78 iter_args(%scan3A_287 = %scan3A_74) -> (i32)  : i32 {
        %get3A = arith.index_cast %scan3A_286 : i32 to index
        %get3A_288 = arith.constant 0 : index
        %get3A_289 = tpu.vector_load %arg6[%get3A, %get3A_288] {strides = array<i32>} : memref<128x64xf32, #tpu.memory_space<vmem>>, vector<1x16xf32>,
        %get3A_290 = vector.shape_cast %get3A_289 : vector<1x16xf32> to vector<16xf32>
        %mul3A_291 = arith.constant 8.000000e+00 : f32
        %mul3A_292 = vector.broadcast %mul3A_291 : f32 to vector<16xf32>
        %mul3A_293 = arith.mulf %get3A_290, %mul3A_292 : vector<16xf32>
        %swap3A = arith.index_cast %scan3A_286 : i32 to index
        %swap3A_294 = arith.constant 0 : index
        %swap3A_295 = tpu.vector_load %arg6[%swap3A, %swap3A_294] {strides = array<i32>} : memref<128x64xf32, #tpu.memory_space<vmem>>, vector<1x16xf32>,
        %swap3A_296 = vector.shape_cast %swap3A_295 : vector<1x16xf32> to vector<16xf32>
        %swap3A_297 = vector.shape_cast %mul3A_293 : vector<16xf32> to vector<1x16xf32>
        tpu.vector_store %arg6[%swap3A, %swap3A_294], %swap3A_297 {strides = array<i32>} : memref<128x64xf32, #tpu.memory_space<vmem>>, vector<1x16xf32>,
        %get3A_298 = arith.index_cast %scan3A_286 : i32 to index
        %get3A_299 = arith.constant 16 : index
        %get3A_300 = tpu.vector_load %arg6[%get3A_298, %get3A_299] {strides = array<i32>} : memref<128x64xf32, #tpu.memory_space<vmem>>, vector<1x16xf32>,
        %get3A_301 = vector.shape_cast %get3A_300 : vector<1x16xf32> to vector<16xf32>
        %mul3A_302 = arith.constant 8.000000e+00 : f32
        %mul3A_303 = vector.broadcast %mul3A_302 : f32 to vector<16xf32>
        %mul3A_304 = arith.mulf %get3A_301, %mul3A_303 : vector<16xf32>
        %swap3A_305 = arith.index_cast %scan3A_286 : i32 to index
        %swap3A_306 = arith.constant 16 : index
        %swap3A_307 = tpu.vector_load %arg6[%swap3A_305, %swap3A_306] {strides = array<i32>} : memref<128x64xf32, #tpu.memory_space<vmem>>, vector<1x16xf32>,
        %swap3A_308 = vector.shape_cast %swap3A_307 : vector<1x16xf32> to vector<16xf32>
        %swap3A_309 = vector.shape_cast %mul3A_304 : vector<16xf32> to vector<1x16xf32>
        tpu.vector_store %arg6[%swap3A_305, %swap3A_306], %swap3A_309 {strides = array<i32>} : memref<128x64xf32, #tpu.memory_space<vmem>>, vector<1x16xf32>,
        %get3A_310 = arith.index_cast %scan3A_286 : i32 to index
        %get3A_311 = arith.constant 32 : index
        %get3A_312 = tpu.vector_load %arg6[%get3A_310, %get3A_311] {strides = array<i32>} : memref<128x64xf32, #tpu.memory_space<vmem>>, vector<1x16xf32>,
        %get3A_313 = vector.shape_cast %get3A_312 : vector<1x16xf32> to vector<16xf32>
        %mul3A_314 = arith.constant 8.000000e+00 : f32
        %mul3A_315 = vector.broadcast %mul3A_314 : f32 to vector<16xf32>
        %mul3A_316 = arith.mulf %get3A_313, %mul3A_315 : vector<16xf32>
        %swap3A_317 = arith.index_cast %scan3A_286 : i32 to index
        %swap3A_318 = arith.constant 32 : index
        %swap3A_319 = tpu.vector_load %arg6[%swap3A_317, %swap3A_318] {strides = array<i32>} : memref<128x64xf32, #tpu.memory_space<vmem>>, vector<1x16xf32>,
        %swap3A_320 = vector.shape_cast %swap3A_319 : vector<1x16xf32> to vector<16xf32>
        %swap3A_321 = vector.shape_cast %mul3A_316 : vector<16xf32> to vector<1x16xf32>
        tpu.vector_store %arg6[%swap3A_317, %swap3A_318], %swap3A_321 {strides = array<i32>} : memref<128x64xf32, #tpu.memory_space<vmem>>, vector<1x16xf32>,
        %get3A_322 = arith.index_cast %scan3A_286 : i32 to index
        %get3A_323 = arith.constant 48 : index
        %get3A_324 = tpu.vector_load %arg6[%get3A_322, %get3A_323] {strides = array<i32>} : memref<128x64xf32, #tpu.memory_space<vmem>>, vector<1x16xf32>,
        %get3A_325 = vector.shape_cast %get3A_324 : vector<1x16xf32> to vector<16xf32>
        %mul3A_326 = arith.constant 8.000000e+00 : f32
        %mul3A_327 = vector.broadcast %mul3A_326 : f32 to vector<16xf32>
        %mul3A_328 = arith.mulf %get3A_325, %mul3A_327 : vector<16xf32>
        %swap3A_329 = arith.index_cast %scan3A_286 : i32 to index
        %swap3A_330 = arith.constant 48 : index
        %swap3A_331 = tpu.vector_load %arg6[%swap3A_329, %swap3A_330] {strides = array<i32>} : memref<128x64xf32, #tpu.memory_space<vmem>>, vector<1x16xf32>,
        %swap3A_332 = vector.shape_cast %swap3A_331 : vector<1x16xf32> to vector<16xf32>
        %swap3A_333 = vector.shape_cast %mul3A_328 : vector<16xf32> to vector<1x16xf32>
        tpu.vector_store %arg6[%swap3A_329, %swap3A_330], %swap3A_333 {strides = array<i32>} : memref<128x64xf32, #tpu.memory_space<vmem>>, vector<1x16xf32>,
        %scan3A_334 = arith.constant 0 : i32
        %scan3A_335 = arith.constant 1 : i32
        %scan3A_336 = arith.addi %scan3A_286, %scan3A_335 : i32
        %get3A_337 = arith.index_cast %scan3A_336 : i32 to index
        %get3A_338 = arith.constant 0 : index
        %get3A_339 = tpu.vector_load %arg6[%get3A_337, %get3A_338] {strides = array<i32>} : memref<128x64xf32, #tpu.memory_space<vmem>>, vector<1x16xf32>,
        %get3A_340 = vector.shape_cast %get3A_339 : vector<1x16xf32> to vector<16xf32>
        %mul3A_341 = arith.constant 8.000000e+00 : f32
        %mul3A_342 = vector.broadcast %mul3A_341 : f32 to vector<16xf32>
        %mul3A_343 = arith.mulf %get3A_340, %mul3A_342 : vector<16xf32>
        %swap3A_344 = arith.index_cast %scan3A_336 : i32 to index
        %swap3A_345 = arith.constant 0 : index
        %swap3A_346 = tpu.vector_load %arg6[%swap3A_344, %swap3A_345] {strides = array<i32>} : memref<128x64xf32, #tpu.memory_space<vmem>>, vector<1x16xf32>,
        %swap3A_347 = vector.shape_cast %swap3A_346 : vector<1x16xf32> to vector<16xf32>
        %swap3A_348 = vector.shape_cast %mul3A_343 : vector<16xf32> to vector<1x16xf32>
        tpu.vector_store %arg6[%swap3A_344, %swap3A_345], %swap3A_348 {strides = array<i32>} : memref<128x64xf32, #tpu.memory_space<vmem>>, vector<1x16xf32>,
        %get3A_349 = arith.index_cast %scan3A_336 : i32 to index
        %get3A_350 = arith.constant 16 : index
        %get3A_351 = tpu.vector_load %arg6[%get3A_349, %get3A_350] {strides = array<i32>} : memref<128x64xf32, #tpu.memory_space<vmem>>, vector<1x16xf32>,
        %get3A_352 = vector.shape_cast %get3A_351 : vector<1x16xf32> to vector<16xf32>
        %mul3A_353 = arith.constant 8.000000e+00 : f32
        %mul3A_354 = vector.broadcast %mul3A_353 : f32 to vector<16xf32>
        %mul3A_355 = arith.mulf %get3A_352, %mul3A_354 : vector<16xf32>
        %swap3A_356 = arith.index_cast %scan3A_336 : i32 to index
        %swap3A_357 = arith.constant 16 : index
        %swap3A_358 = tpu.vector_load %arg6[%swap3A_356, %swap3A_357] {strides = array<i32>} : memref<128x64xf32, #tpu.memory_space<vmem>>, vector<1x16xf32>,
        %swap3A_359 = vector.shape_cast %swap3A_358 : vector<1x16xf32> to vector<16xf32>
        %swap3A_360 = vector.shape_cast %mul3A_355 : vector<16xf32> to vector<1x16xf32>
        tpu.vector_store %arg6[%swap3A_356, %swap3A_357], %swap3A_360 {strides = array<i32>} : memref<128x64xf32, #tpu.memory_space<vmem>>, vector<1x16xf32>,
        %get3A_361 = arith.index_cast %scan3A_336 : i32 to index
        %get3A_362 = arith.constant 32 : index
        %get3A_363 = tpu.vector_load %arg6[%get3A_361, %get3A_362] {strides = array<i32>} : memref<128x64xf32, #tpu.memory_space<vmem>>, vector<1x16xf32>,
        %get3A_364 = vector.shape_cast %get3A_363 : vector<1x16xf32> to vector<16xf32>
        %mul3A_365 = arith.constant 8.000000e+00 : f32
        %mul3A_366 = vector.broadcast %mul3A_365 : f32 to vector<16xf32>
        %mul3A_367 = arith.mulf %get3A_364, %mul3A_366 : vector<16xf32>
        %swap3A_368 = arith.index_cast %scan3A_336 : i32 to index
        %swap3A_369 = arith.constant 32 : index
        %swap3A_370 = tpu.vector_load %arg6[%swap3A_368, %swap3A_369] {strides = array<i32>} : memref<128x64xf32, #tpu.memory_space<vmem>>, vector<1x16xf32>,
        %swap3A_371 = vector.shape_cast %swap3A_370 : vector<1x16xf32> to vector<16xf32>
        %swap3A_372 = vector.shape_cast %mul3A_367 : vector<16xf32> to vector<1x16xf32>
        tpu.vector_store %arg6[%swap3A_368, %swap3A_369], %swap3A_372 {strides = array<i32>} : memref<128x64xf32, #tpu.memory_space<vmem>>, vector<1x16xf32>,
        %get3A_373 = arith.index_cast %scan3A_336 : i32 to index
        %get3A_374 = arith.constant 48 : index
        %get3A_375 = tpu.vector_load %arg6[%get3A_373, %get3A_374] {strides = array<i32>} : memref<128x64xf32, #tpu.memory_space<vmem>>, vector<1x16xf32>,
        %get3A_376 = vector.shape_cast %get3A_375 : vector<1x16xf32> to vector<16xf32>
        %mul3A_377 = arith.constant 8.000000e+00 : f32
        %mul3A_378 = vector.broadcast %mul3A_377 : f32 to vector<16xf32>
        %mul3A_379 = arith.mulf %get3A_376, %mul3A_378 : vector<16xf32>
        %swap3A_380 = arith.index_cast %scan3A_336 : i32 to index
        %swap3A_381 = arith.constant 48 : index
        %swap3A_382 = tpu.vector_load %arg6[%swap3A_380, %swap3A_381] {strides = array<i32>} : memref<128x64xf32, #tpu.memory_space<vmem>>, vector<1x16xf32>,
        %swap3A_383 = vector.shape_cast %swap3A_382 : vector<1x16xf32> to vector<16xf32>
        %swap3A_384 = vector.shape_cast %mul3A_379 : vector<16xf32> to vector<1x16xf32>
        tpu.vector_store %arg6[%swap3A_380, %swap3A_381], %swap3A_384 {strides = array<i32>} : memref<128x64xf32, #tpu.memory_space<vmem>>, vector<1x16xf32>,
        %scan3A_385 = arith.constant 0 : i32
        %scan3A_386 = arith.constant 2 : i32
        %scan3A_387 = arith.addi %scan3A_286, %scan3A_386 : i32
        %get3A_388 = arith.index_cast %scan3A_387 : i32 to index
        %get3A_389 = arith.constant 0 : index
        %get3A_390 = tpu.vector_load %arg6[%get3A_388, %get3A_389] {strides = array<i32>} : memref<128x64xf32, #tpu.memory_space<vmem>>, vector<1x16xf32>,
        %get3A_391 = vector.shape_cast %get3A_390 : vector<1x16xf32> to vector<16xf32>
        %mul3A_392 = arith.constant 8.000000e+00 : f32
        %mul3A_393 = vector.broadcast %mul3A_392 : f32 to vector<16xf32>
        %mul3A_394 = arith.mulf %get3A_391, %mul3A_393 : vector<16xf32>
        %swap3A_395 = arith.index_cast %scan3A_387 : i32 to index
        %swap3A_396 = arith.constant 0 : index
        %swap3A_397 = tpu.vector_load %arg6[%swap3A_395, %swap3A_396] {strides = array<i32>} : memref<128x64xf32, #tpu.memory_space<vmem>>, vector<1x16xf32>,
        %swap3A_398 = vector.shape_cast %swap3A_397 : vector<1x16xf32> to vector<16xf32>
        %swap3A_399 = vector.shape_cast %mul3A_394 : vector<16xf32> to vector<1x16xf32>
        tpu.vector_store %arg6[%swap3A_395, %swap3A_396], %swap3A_399 {strides = array<i32>} : memref<128x64xf32, #tpu.memory_space<vmem>>, vector<1x16xf32>,
        %get3A_400 = arith.index_cast %scan3A_387 : i32 to index
        %get3A_401 = arith.constant 16 : index
        %get3A_402 = tpu.vector_load %arg6[%get3A_400, %get3A_401] {strides = array<i32>} : memref<128x64xf32, #tpu.memory_space<vmem>>, vector<1x16xf32>,
        %get3A_403 = vector.shape_cast %get3A_402 : vector<1x16xf32> to vector<16xf32>
        %mul3A_404 = arith.constant 8.000000e+00 : f32
        %mul3A_405 = vector.broadcast %mul3A_404 : f32 to vector<16xf32>
        %mul3A_406 = arith.mulf %get3A_403, %mul3A_405 : vector<16xf32>
        %swap3A_407 = arith.index_cast %scan3A_387 : i32 to index
        %swap3A_408 = arith.constant 16 : index
        %swap3A_409 = tpu.vector_load %arg6[%swap3A_407, %swap3A_408] {strides = array<i32>} : memref<128x64xf32, #tpu.memory_space<vmem>>, vector<1x16xf32>,
        %swap3A_410 = vector.shape_cast %swap3A_409 : vector<1x16xf32> to vector<16xf32>
        %swap3A_411 = vector.shape_cast %mul3A_406 : vector<16xf32> to vector<1x16xf32>
        tpu.vector_store %arg6[%swap3A_407, %swap3A_408], %swap3A_411 {strides = array<i32>} : memref<128x64xf32, #tpu.memory_space<vmem>>, vector<1x16xf32>,
        %get3A_412 = arith.index_cast %scan3A_387 : i32 to index
        %get3A_413 = arith.constant 32 : index
        %get3A_414 = tpu.vector_load %arg6[%get3A_412, %get3A_413] {strides = array<i32>} : memref<128x64xf32, #tpu.memory_space<vmem>>, vector<1x16xf32>,
        %get3A_415 = vector.shape_cast %get3A_414 : vector<1x16xf32> to vector<16xf32>
        %mul3A_416 = arith.constant 8.000000e+00 : f32
        %mul3A_417 = vector.broadcast %mul3A_416 : f32 to vector<16xf32>
        %mul3A_418 = arith.mulf %get3A_415, %mul3A_417 : vector<16xf32>
        %swap3A_419 = arith.index_cast %scan3A_387 : i32 to index
        %swap3A_420 = arith.constant 32 : index
        %swap3A_421 = tpu.vector_load %arg6[%swap3A_419, %swap3A_420] {strides = array<i32>} : memref<128x64xf32, #tpu.memory_space<vmem>>, vector<1x16xf32>,
        %swap3A_422 = vector.shape_cast %swap3A_421 : vector<1x16xf32> to vector<16xf32>
        %swap3A_423 = vector.shape_cast %mul3A_418 : vector<16xf32> to vector<1x16xf32>
        tpu.vector_store %arg6[%swap3A_419, %swap3A_420], %swap3A_423 {strides = array<i32>} : memref<128x64xf32, #tpu.memory_space<vmem>>, vector<1x16xf32>,
        %get3A_424 = arith.index_cast %scan3A_387 : i32 to index
        %get3A_425 = arith.constant 48 : index
        %get3A_426 = tpu.vector_load %arg6[%get3A_424, %get3A_425] {strides = array<i32>} : memref<128x64xf32, #tpu.memory_space<vmem>>, vector<1x16xf32>,
        %get3A_427 = vector.shape_cast %get3A_426 : vector<1x16xf32> to vector<16xf32>
        %mul3A_428 = arith.constant 8.000000e+00 : f32
        %mul3A_429 = vector.broadcast %mul3A_428 : f32 to vector<16xf32>
        %mul3A_430 = arith.mulf %get3A_427, %mul3A_429 : vector<16xf32>
        %swap3A_431 = arith.index_cast %scan3A_387 : i32 to index
        %swap3A_432 = arith.constant 48 : index
        %swap3A_433 = tpu.vector_load %arg6[%swap3A_431, %swap3A_432] {strides = array<i32>} : memref<128x64xf32, #tpu.memory_space<vmem>>, vector<1x16xf32>,
        %swap3A_434 = vector.shape_cast %swap3A_433 : vector<1x16xf32> to vector<16xf32>
        %swap3A_435 = vector.shape_cast %mul3A_430 : vector<16xf32> to vector<1x16xf32>
        tpu.vector_store %arg6[%swap3A_431, %swap3A_432], %swap3A_435 {strides = array<i32>} : memref<128x64xf32, #tpu.memory_space<vmem>>, vector<1x16xf32>,
        %scan3A_436 = arith.constant 0 : i32
        %scan3A_437 = arith.constant 3 : i32
        %scan3A_438 = arith.addi %scan3A_286, %scan3A_437 : i32
        %get3A_439 = arith.index_cast %scan3A_438 : i32 to index
        %get3A_440 = arith.constant 0 : index
        %get3A_441 = tpu.vector_load %arg6[%get3A_439, %get3A_440] {strides = array<i32>} : memref<128x64xf32, #tpu.memory_space<vmem>>, vector<1x16xf32>,
        %get3A_442 = vector.shape_cast %get3A_441 : vector<1x16xf32> to vector<16xf32>
        %mul3A_443 = arith.constant 8.000000e+00 : f32
        %mul3A_444 = vector.broadcast %mul3A_443 : f32 to vector<16xf32>
        %mul3A_445 = arith.mulf %get3A_442, %mul3A_444 : vector<16xf32>
        %swap3A_446 = arith.index_cast %scan3A_438 : i32 to index
        %swap3A_447 = arith.constant 0 : index
        %swap3A_448 = tpu.vector_load %arg6[%swap3A_446, %swap3A_447] {strides = array<i32>} : memref<128x64xf32, #tpu.memory_space<vmem>>, vector<1x16xf32>,
        %swap3A_449 = vector.shape_cast %swap3A_448 : vector<1x16xf32> to vector<16xf32>
        %swap3A_450 = vector.shape_cast %mul3A_445 : vector<16xf32> to vector<1x16xf32>
        tpu.vector_store %arg6[%swap3A_446, %swap3A_447], %swap3A_450 {strides = array<i32>} : memref<128x64xf32, #tpu.memory_space<vmem>>, vector<1x16xf32>,
        %get3A_451 = arith.index_cast %scan3A_438 : i32 to index
        %get3A_452 = arith.constant 16 : index
        %get3A_453 = tpu.vector_load %arg6[%get3A_451, %get3A_452] {strides = array<i32>} : memref<128x64xf32, #tpu.memory_space<vmem>>, vector<1x16xf32>,
        %get3A_454 = vector.shape_cast %get3A_453 : vector<1x16xf32> to vector<16xf32>
        %mul3A_455 = arith.constant 8.000000e+00 : f32
        %mul3A_456 = vector.broadcast %mul3A_455 : f32 to vector<16xf32>
        %mul3A_457 = arith.mulf %get3A_454, %mul3A_456 : vector<16xf32>
        %swap3A_458 = arith.index_cast %scan3A_438 : i32 to index
        %swap3A_459 = arith.constant 16 : index
        %swap3A_460 = tpu.vector_load %arg6[%swap3A_458, %swap3A_459] {strides = array<i32>} : memref<128x64xf32, #tpu.memory_space<vmem>>, vector<1x16xf32>,
        %swap3A_461 = vector.shape_cast %swap3A_460 : vector<1x16xf32> to vector<16xf32>
        %swap3A_462 = vector.shape_cast %mul3A_457 : vector<16xf32> to vector<1x16xf32>
        tpu.vector_store %arg6[%swap3A_458, %swap3A_459], %swap3A_462 {strides = array<i32>} : memref<128x64xf32, #tpu.memory_space<vmem>>, vector<1x16xf32>,
        %get3A_463 = arith.index_cast %scan3A_438 : i32 to index
        %get3A_464 = arith.constant 32 : index
        %get3A_465 = tpu.vector_load %arg6[%get3A_463, %get3A_464] {strides = array<i32>} : memref<128x64xf32, #tpu.memory_space<vmem>>, vector<1x16xf32>,
        %get3A_466 = vector.shape_cast %get3A_465 : vector<1x16xf32> to vector<16xf32>
        %mul3A_467 = arith.constant 8.000000e+00 : f32
        %mul3A_468 = vector.broadcast %mul3A_467 : f32 to vector<16xf32>
        %mul3A_469 = arith.mulf %get3A_466, %mul3A_468 : vector<16xf32>
        %swap3A_470 = arith.index_cast %scan3A_438 : i32 to index
        %swap3A_471 = arith.constant 32 : index
        %swap3A_472 = tpu.vector_load %arg6[%swap3A_470, %swap3A_471] {strides = array<i32>} : memref<128x64xf32, #tpu.memory_space<vmem>>, vector<1x16xf32>,
        %swap3A_473 = vector.shape_cast %swap3A_472 : vector<1x16xf32> to vector<16xf32>
        %swap3A_474 = vector.shape_cast %mul3A_469 : vector<16xf32> to vector<1x16xf32>
        tpu.vector_store %arg6[%swap3A_470, %swap3A_471], %swap3A_474 {strides = array<i32>} : memref<128x64xf32, #tpu.memory_space<vmem>>, vector<1x16xf32>,
        %get3A_475 = arith.index_cast %scan3A_438 : i32 to index
        %get3A_476 = arith.constant 48 : index
        %get3A_477 = tpu.vector_load %arg6[%get3A_475, %get3A_476] {strides = array<i32>} : memref<128x64xf32, #tpu.memory_space<vmem>>, vector<1x16xf32>,
        %get3A_478 = vector.shape_cast %get3A_477 : vector<1x16xf32> to vector<16xf32>
        %mul3A_479 = arith.constant 8.000000e+00 : f32
        %mul3A_480 = vector.broadcast %mul3A_479 : f32 to vector<16xf32>
        %mul3A_481 = arith.mulf %get3A_478, %mul3A_480 : vector<16xf32>
        %swap3A_482 = arith.index_cast %scan3A_438 : i32 to index
        %swap3A_483 = arith.constant 48 : index
        %swap3A_484 = tpu.vector_load %arg6[%swap3A_482, %swap3A_483] {strides = array<i32>} : memref<128x64xf32, #tpu.memory_space<vmem>>, vector<1x16xf32>,
        %swap3A_485 = vector.shape_cast %swap3A_484 : vector<1x16xf32> to vector<16xf32>
        %swap3A_486 = vector.shape_cast %mul3A_481 : vector<16xf32> to vector<1x16xf32>
        tpu.vector_store %arg6[%swap3A_482, %swap3A_483], %swap3A_486 {strides = array<i32>} : memref<128x64xf32, #tpu.memory_space<vmem>>, vector<1x16xf32>,
        %scan3A_487 = arith.constant 0 : i32
        scf.yield %scan3A_487 : i32
      }
      %scan3A_80 = arith.constant 128 : i32
      "tpu.region"() ({
        %run_scoped3A = tpu.sem_alloc : memref<!tpu.dma_semaphore, #tpu.memory_space<semaphore_mem>>
        %dma_start3A_286 = arith.constant 0 : i32
        %dma_start3A_287 = tpu.memref_slice %arg4[%mul3A_2, %add3A_38, %dma_start3A_286] : memref<4096x200x64xf32, #tpu.memory_space<hbm>> -> memref<128x1x64xf32, #tpu.memory_space<hbm>>
        %dma_start3A_288 = tpu.memref_squeeze %dma_start3A_287 : memref<128x1x64xf32, #tpu.memory_space<hbm>> -> memref<128x64xf32, #tpu.memory_space<hbm>>
        %dma_start3A_289 = arith.constant 0 : i32
        %dma_start3A_290 = tpu.memref_slice %arg4[%mul3A_2, %add3A_38, %dma_start3A_289] : memref<4096x200x64xf32, #tpu.memory_space<hbm>> -> memref<128x1x64xf32, #tpu.memory_space<hbm>>
        %dma_start3A_291 = tpu.memref_squeeze %dma_start3A_290 : memref<128x1x64xf32, #tpu.memory_space<hbm>> -> memref<128x64xf32, #tpu.memory_space<hbm>>
        tpu.enqueue_dma source(%arg6 : memref<128x64xf32, #tpu.memory_space<vmem>>) target(%dma_start3A_291 : memref<128x64xf32, #tpu.memory_space<hbm>>) target_semaphore(%run_scoped3A : memref<!tpu.dma_semaphore, #tpu.memory_space<semaphore_mem>>)
        %dma_wait3A_292 = arith.constant 0 : i32
        %dma_wait3A_293 = tpu.memref_slice %arg4[%mul3A_2, %add3A_38, %dma_wait3A_292] : memref<4096x200x64xf32, #tpu.memory_space<hbm>> -> memref<128x1x64xf32, #tpu.memory_space<hbm>>
        %dma_wait3A_294 = tpu.memref_squeeze %dma_wait3A_293 : memref<128x1x64xf32, #tpu.memory_space<hbm>> -> memref<128x64xf32, #tpu.memory_space<hbm>>
        %dma_wait3A_295 = arith.constant 0 : i32
        %dma_wait3A_296 = tpu.memref_slice %arg4[%mul3A_2, %add3A_38, %dma_wait3A_295] : memref<4096x200x64xf32, #tpu.memory_space<hbm>> -> memref<128x1x64xf32, #tpu.memory_space<hbm>>
        %dma_wait3A_297 = tpu.memref_squeeze %dma_wait3A_296 : memref<128x1x64xf32, #tpu.memory_space<hbm>> -> memref<128x64xf32, #tpu.memory_space<hbm>>
        tpu.wait_dma2 semaphore(%run_scoped3A : memref<!tpu.dma_semaphore, #tpu.memory_space<semaphore_mem>>) src(%arg6 : memref<128x64xf32, #tpu.memory_space<vmem>>) dst(%dma_wait3A_297 : memref<128x64xf32, #tpu.memory_space<hbm>>)
        tpu.yield
      }) : () -> ()
      %add3A_81 = arith.constant 4 : i32
      %add3A_82 = arith.addi %add3A_38, %add3A_81 : i32
      %sub3A_83 = arith.constant 1 : i32
      %sub3A_84 = arith.subi %add3A_82, %sub3A_83 : i32
      %lt3A_85 = arith.constant 200 : i32
      %lt3A_86 = arith.cmpi slt, %sub3A_84, %lt3A_85 : i32
      %convert_element_type3A = arith.extui %lt3A_86 : i1 to i32
      %cond3A = arith.constant 0 : i32
      %cond3A_87 = arith.cmpi ne, %convert_element_type3A, %cond3A : i32
      scf.if %cond3A_87 {
        %add3A_286 = arith.constant 4 : i32
        %add3A_287 = arith.addi %add3A_38, %add3A_286 : i32
        %sub3A_288 = arith.constant 1 : i32
        %sub3A_289 = arith.subi %add3A_287, %sub3A_288 : i32
        %jit3A_290 = arith.constant 8 : i32
        %div3A_291 = arith.divsi %sub3A_289, %jit3A_290 : i32
        %sign3A_292 = arith.constant 0 : i32
        %sign3A_293 = arith.cmpi sgt, %sub3A_289, %sign3A_292 : i32
        %sign3A_294 = arith.extui %sign3A_293 : i1 to i32
        %sign3A_295 = arith.constant 0 : i32
        %sign3A_296 = arith.cmpi slt, %sub3A_289, %sign3A_295 : i32
        %sign3A_297 = arith.extui %sign3A_296 : i1 to i32
        %sign3A_298 = arith.subi %sign3A_294, %sign3A_297 : i32
        %sign3A_299 = arith.constant 0 : i32
        %sign3A_300 = arith.cmpi sgt, %jit3A_290, %sign3A_299 : i32
        %sign3A_301 = arith.extui %sign3A_300 : i1 to i32
        %sign3A_302 = arith.constant 0 : i32
        %sign3A_303 = arith.cmpi slt, %jit3A_290, %sign3A_302 : i32
        %sign3A_304 = arith.extui %sign3A_303 : i1 to i32
        %sign3A_305 = arith.subi %sign3A_301, %sign3A_304 : i32
        %ne3A_306 = arith.cmpi ne, %sign3A_298, %sign3A_305 : i32
        %rem3A_307 = arith.remsi %sub3A_289, %jit3A_290 : i32
        %ne3A_308 = arith.constant 0 : i32
        %ne3A_309 = arith.cmpi ne, %rem3A_307, %ne3A_308 : i32
        %and3A_310 = arith.andi %ne3A_306, %ne3A_309 : i1
        %sub3A_311 = arith.constant 1 : i32
        %sub3A_312 = arith.subi %div3A_291, %sub3A_311 : i32
        %select_n3A_313 = arith.select %and3A_310, %sub3A_312, %div3A_291 : i32
        %jit3A_314 = arith.constant 8 : i32
        %eq3A_315 = arith.constant 0 : i32
        %eq3A_316 = arith.cmpi eq, %jit3A_314, %eq3A_315 : i32
        %jit3A_317 = arith.constant 1 : i32
        %select_n3A_318 = arith.select %eq3A_316, %jit3A_317, %jit3A_314 : i32
        %rem3A_319 = arith.remsi %sub3A_289, %select_n3A_318 : i32
        %ne3A_320 = arith.constant 0 : i32
        %ne3A_321 = arith.cmpi ne, %rem3A_319, %ne3A_320 : i32
        %lt3A_322 = arith.constant 0 : i32
        %lt3A_323 = arith.cmpi slt, %rem3A_319, %lt3A_322 : i32
        %lt3A_324 = arith.constant 0 : i32
        %lt3A_325 = arith.cmpi slt, %select_n3A_318, %lt3A_324 : i32
        %ne3A_326 = arith.xori %lt3A_323, %lt3A_325 : i1
        %and3A_327 = arith.andi %ne3A_326, %ne3A_321 : i1
        %add3A_328 = arith.addi %rem3A_319, %select_n3A_318 : i32
        %select_n3A_329 = arith.select %and3A_327, %add3A_328, %rem3A_319 : i32
        %dma_start3A_330 = arith.constant 0 : i32
        %dma_start3A_331 = tpu.memref_slice %arg5[%select_n3A_313, %select_n3A_329, %dma_start3A_330] : memref<25x8x128xi32, #tpu.memory_space<vmem>> -> memref<1x1x128xi32, #tpu.memory_space<vmem>>
        %dma_start3A_332 = tpu.memref_squeeze %dma_start3A_331 : memref<1x1x128xi32, #tpu.memory_space<vmem>> -> memref<128xi32, #tpu.memory_space<vmem>>
        %dma_start3A_333 = arith.constant 0 : i32
        %dma_start3A_334 = arith.constant 0 : i32
        %dma_start3A_335 = tpu.memref_slice %arg3[%dma_start3A_333, %dma_start3A_334] : memref<1000000x64xf32, #tpu.memory_space<hbm>> -> memref<1000000x64xf32, #tpu.memory_space<hbm>>
        tpu.enqueue_indirect_dma source(%dma_start3A_335 : memref<1000000x64xf32, #tpu.memory_space<hbm>>) target(%arg9 : memref<128x64xf32, #tpu.memory_space<vmem>>) offsets(%dma_start3A_332 : memref<128xi32, #tpu.memory_space<vmem>>) semaphore(%arg13 : memref<!tpu.dma_semaphore, #tpu.memory_space<semaphore_mem>>)
      } else {
      }
      %mul3A_88 = arith.constant 4 : i32
      %mul3A_89 = arith.muli %add3A_34, %mul3A_88 : i32
      %add3A_90 = arith.constant 1 : i32
      %add3A_91 = arith.addi %mul3A_89, %add3A_90 : i32
      %jit3A_92 = arith.constant 8 : i32
      %div3A_93 = arith.divsi %add3A_91, %jit3A_92 : i32
      %sign3A_94 = arith.constant 0 : i32
      %sign3A_95 = arith.cmpi sgt, %add3A_91, %sign3A_94 : i32
      %sign3A_96 = arith.extui %sign3A_95 : i1 to i32
      %sign3A_97 = arith.constant 0 : i32
      %sign3A_98 = arith.cmpi slt, %add3A_91, %sign3A_97 : i32
      %sign3A_99 = arith.extui %sign3A_98 : i1 to i32
      %sign3A_100 = arith.subi %sign3A_96, %sign3A_99 : i32
      %sign3A_101 = arith.constant 0 : i32
      %sign3A_102 = arith.cmpi sgt, %jit3A_92, %sign3A_101 : i32
      %sign3A_103 = arith.extui %sign3A_102 : i1 to i32
      %sign3A_104 = arith.constant 0 : i32
      %sign3A_105 = arith.cmpi slt, %jit3A_92, %sign3A_104 : i32
      %sign3A_106 = arith.extui %sign3A_105 : i1 to i32
      %sign3A_107 = arith.subi %sign3A_103, %sign3A_106 : i32
      %ne3A_108 = arith.cmpi ne, %sign3A_100, %sign3A_107 : i32
      %rem3A_109 = arith.remsi %add3A_91, %jit3A_92 : i32
      %ne3A_110 = arith.constant 0 : i32
      %ne3A_111 = arith.cmpi ne, %rem3A_109, %ne3A_110 : i32
      %and3A_112 = arith.andi %ne3A_108, %ne3A_111 : i1
      %sub3A_113 = arith.constant 1 : i32
      %sub3A_114 = arith.subi %div3A_93, %sub3A_113 : i32
      %select_n3A_115 = arith.select %and3A_112, %sub3A_114, %div3A_93 : i32
      %jit3A_116 = arith.constant 8 : i32
      %eq3A_117 = arith.constant 0 : i32
      %eq3A_118 = arith.cmpi eq, %jit3A_116, %eq3A_117 : i32
      %jit3A_119 = arith.constant 1 : i32
      %select_n3A_120 = arith.select %eq3A_118, %jit3A_119, %jit3A_116 : i32
      %rem3A_121 = arith.remsi %add3A_91, %select_n3A_120 : i32
      %ne3A_122 = arith.constant 0 : i32
      %ne3A_123 = arith.cmpi ne, %rem3A_121, %ne3A_122 : i32
      %lt3A_124 = arith.constant 0 : i32
      %lt3A_125 = arith.cmpi slt, %rem3A_121, %lt3A_124 : i32
      %lt3A_126 = arith.constant 0 : i32
      %lt3A_127 = arith.cmpi slt, %select_n3A_120, %lt3A_126 : i32
      %ne3A_128 = arith.xori %lt3A_125, %lt3A_127 : i1
      %and3A_129 = arith.andi %ne3A_128, %ne3A_123 : i1
      %add3A_130 = arith.addi %rem3A_121, %select_n3A_120 : i32
      %select_n3A_131 = arith.select %and3A_129, %add3A_130, %rem3A_121 : i32
      %dma_wait3A_132 = arith.constant 0 : i32
      %dma_wait3A_133 = tpu.memref_slice %arg5[%select_n3A_115, %select_n3A_131, %dma_wait3A_132] : memref<25x8x128xi32, #tpu.memory_space<vmem>> -> memref<1x1x128xi32, #tpu.memory_space<vmem>>
      %dma_wait3A_134 = tpu.memref_squeeze %dma_wait3A_133 : memref<1x1x128xi32, #tpu.memory_space<vmem>> -> memref<128xi32, #tpu.memory_space<vmem>>
      %dma_wait3A_135 = arith.constant 0 : i32
      %dma_wait3A_136 = arith.constant 0 : i32
      %dma_wait3A_137 = tpu.memref_slice %arg3[%dma_wait3A_135, %dma_wait3A_136] : memref<1000000x64xf32, #tpu.memory_space<hbm>> -> memref<1000000x64xf32, #tpu.memory_space<hbm>>
      tpu.wait_indirect_dma semaphore(%arg11 : memref<!tpu.dma_semaphore, #tpu.memory_space<semaphore_mem>>) src(%dma_wait3A_137 : memref<1000000x64xf32, #tpu.memory_space<hbm>>) dst(%arg7 : memref<128x64xf32, #tpu.memory_space<vmem>>)
      %scan3A_138 = arith.constant 0 : i32
      %scan3A_139 = arith.constant 0 : i32
      %scan3A_140 = arith.constant 128 : i32
      %scan3A_141 = arith.addi %scan3A_139, %scan3A_140 : i32
      %scan3A_142 = arith.constant 4 : i32
      %scan3A_143 = scf.for %scan3A_286 = %scan3A_139 to %scan3A_141 step %scan3A_142 iter_args(%scan3A_287 = %scan3A_138) -> (i32)  : i32 {
        %get3A = arith.index_cast %scan3A_286 : i32 to index
        %get3A_288 = arith.constant 0 : index
        %get3A_289 = tpu.vector_load %arg7[%get3A, %get3A_288] {strides = array<i32>} : memref<128x64xf32, #tpu.memory_space<vmem>>, vector<1x16xf32>,
        %get3A_290 = vector.shape_cast %get3A_289 : vector<1x16xf32> to vector<16xf32>
        %mul3A_291 = arith.constant 8.000000e+00 : f32
        %mul3A_292 = vector.broadcast %mul3A_291 : f32 to vector<16xf32>
        %mul3A_293 = arith.mulf %get3A_290, %mul3A_292 : vector<16xf32>
        %swap3A = arith.index_cast %scan3A_286 : i32 to index
        %swap3A_294 = arith.constant 0 : index
        %swap3A_295 = tpu.vector_load %arg7[%swap3A, %swap3A_294] {strides = array<i32>} : memref<128x64xf32, #tpu.memory_space<vmem>>, vector<1x16xf32>,
        %swap3A_296 = vector.shape_cast %swap3A_295 : vector<1x16xf32> to vector<16xf32>
        %swap3A_297 = vector.shape_cast %mul3A_293 : vector<16xf32> to vector<1x16xf32>
        tpu.vector_store %arg7[%swap3A, %swap3A_294], %swap3A_297 {strides = array<i32>} : memref<128x64xf32, #tpu.memory_space<vmem>>, vector<1x16xf32>,
        %get3A_298 = arith.index_cast %scan3A_286 : i32 to index
        %get3A_299 = arith.constant 16 : index
        %get3A_300 = tpu.vector_load %arg7[%get3A_298, %get3A_299] {strides = array<i32>} : memref<128x64xf32, #tpu.memory_space<vmem>>, vector<1x16xf32>,
        %get3A_301 = vector.shape_cast %get3A_300 : vector<1x16xf32> to vector<16xf32>
        %mul3A_302 = arith.constant 8.000000e+00 : f32
        %mul3A_303 = vector.broadcast %mul3A_302 : f32 to vector<16xf32>
        %mul3A_304 = arith.mulf %get3A_301, %mul3A_303 : vector<16xf32>
        %swap3A_305 = arith.index_cast %scan3A_286 : i32 to index
        %swap3A_306 = arith.constant 16 : index
        %swap3A_307 = tpu.vector_load %arg7[%swap3A_305, %swap3A_306] {strides = array<i32>} : memref<128x64xf32, #tpu.memory_space<vmem>>, vector<1x16xf32>,
        %swap3A_308 = vector.shape_cast %swap3A_307 : vector<1x16xf32> to vector<16xf32>
        %swap3A_309 = vector.shape_cast %mul3A_304 : vector<16xf32> to vector<1x16xf32>
        tpu.vector_store %arg7[%swap3A_305, %swap3A_306], %swap3A_309 {strides = array<i32>} : memref<128x64xf32, #tpu.memory_space<vmem>>, vector<1x16xf32>,
        %get3A_310 = arith.index_cast %scan3A_286 : i32 to index
        %get3A_311 = arith.constant 32 : index
        %get3A_312 = tpu.vector_load %arg7[%get3A_310, %get3A_311] {strides = array<i32>} : memref<128x64xf32, #tpu.memory_space<vmem>>, vector<1x16xf32>,
        %get3A_313 = vector.shape_cast %get3A_312 : vector<1x16xf32> to vector<16xf32>
        %mul3A_314 = arith.constant 8.000000e+00 : f32
        %mul3A_315 = vector.broadcast %mul3A_314 : f32 to vector<16xf32>
        %mul3A_316 = arith.mulf %get3A_313, %mul3A_315 : vector<16xf32>
        %swap3A_317 = arith.index_cast %scan3A_286 : i32 to index
        %swap3A_318 = arith.constant 32 : index
        %swap3A_319 = tpu.vector_load %arg7[%swap3A_317, %swap3A_318] {strides = array<i32>} : memref<128x64xf32, #tpu.memory_space<vmem>>, vector<1x16xf32>,
        %swap3A_320 = vector.shape_cast %swap3A_319 : vector<1x16xf32> to vector<16xf32>
        %swap3A_321 = vector.shape_cast %mul3A_316 : vector<16xf32> to vector<1x16xf32>
        tpu.vector_store %arg7[%swap3A_317, %swap3A_318], %swap3A_321 {strides = array<i32>} : memref<128x64xf32, #tpu.memory_space<vmem>>, vector<1x16xf32>,
        %get3A_322 = arith.index_cast %scan3A_286 : i32 to index
        %get3A_323 = arith.constant 48 : index
        %get3A_324 = tpu.vector_load %arg7[%get3A_322, %get3A_323] {strides = array<i32>} : memref<128x64xf32, #tpu.memory_space<vmem>>, vector<1x16xf32>,
        %get3A_325 = vector.shape_cast %get3A_324 : vector<1x16xf32> to vector<16xf32>
        %mul3A_326 = arith.constant 8.000000e+00 : f32
        %mul3A_327 = vector.broadcast %mul3A_326 : f32 to vector<16xf32>
        %mul3A_328 = arith.mulf %get3A_325, %mul3A_327 : vector<16xf32>
        %swap3A_329 = arith.index_cast %scan3A_286 : i32 to index
        %swap3A_330 = arith.constant 48 : index
        %swap3A_331 = tpu.vector_load %arg7[%swap3A_329, %swap3A_330] {strides = array<i32>} : memref<128x64xf32, #tpu.memory_space<vmem>>, vector<1x16xf32>,
        %swap3A_332 = vector.shape_cast %swap3A_331 : vector<1x16xf32> to vector<16xf32>
        %swap3A_333 = vector.shape_cast %mul3A_328 : vector<16xf32> to vector<1x16xf32>
        tpu.vector_store %arg7[%swap3A_329, %swap3A_330], %swap3A_333 {strides = array<i32>} : memref<128x64xf32, #tpu.memory_space<vmem>>, vector<1x16xf32>,
        %scan3A_334 = arith.constant 0 : i32
        %scan3A_335 = arith.constant 1 : i32
        %scan3A_336 = arith.addi %scan3A_286, %scan3A_335 : i32
        %get3A_337 = arith.index_cast %scan3A_336 : i32 to index
        %get3A_338 = arith.constant 0 : index
        %get3A_339 = tpu.vector_load %arg7[%get3A_337, %get3A_338] {strides = array<i32>} : memref<128x64xf32, #tpu.memory_space<vmem>>, vector<1x16xf32>,
        %get3A_340 = vector.shape_cast %get3A_339 : vector<1x16xf32> to vector<16xf32>
        %mul3A_341 = arith.constant 8.000000e+00 : f32
        %mul3A_342 = vector.broadcast %mul3A_341 : f32 to vector<16xf32>
        %mul3A_343 = arith.mulf %get3A_340, %mul3A_342 : vector<16xf32>
        %swap3A_344 = arith.index_cast %scan3A_336 : i32 to index
        %swap3A_345 = arith.constant 0 : index
        %swap3A_346 = tpu.vector_load %arg7[%swap3A_344, %swap3A_345] {strides = array<i32>} : memref<128x64xf32, #tpu.memory_space<vmem>>, vector<1x16xf32>,
        %swap3A_347 = vector.shape_cast %swap3A_346 : vector<1x16xf32> to vector<16xf32>
        %swap3A_348 = vector.shape_cast %mul3A_343 : vector<16xf32> to vector<1x16xf32>
        tpu.vector_store %arg7[%swap3A_344, %swap3A_345], %swap3A_348 {strides = array<i32>} : memref<128x64xf32, #tpu.memory_space<vmem>>, vector<1x16xf32>,
        %get3A_349 = arith.index_cast %scan3A_336 : i32 to index
        %get3A_350 = arith.constant 16 : index
        %get3A_351 = tpu.vector_load %arg7[%get3A_349, %get3A_350] {strides = array<i32>} : memref<128x64xf32, #tpu.memory_space<vmem>>, vector<1x16xf32>,
        %get3A_352 = vector.shape_cast %get3A_351 : vector<1x16xf32> to vector<16xf32>
        %mul3A_353 = arith.constant 8.000000e+00 : f32
        %mul3A_354 = vector.broadcast %mul3A_353 : f32 to vector<16xf32>
        %mul3A_355 = arith.mulf %get3A_352, %mul3A_354 : vector<16xf32>
        %swap3A_356 = arith.index_cast %scan3A_336 : i32 to index
        %swap3A_357 = arith.constant 16 : index
        %swap3A_358 = tpu.vector_load %arg7[%swap3A_356, %swap3A_357] {strides = array<i32>} : memref<128x64xf32, #tpu.memory_space<vmem>>, vector<1x16xf32>,
        %swap3A_359 = vector.shape_cast %swap3A_358 : vector<1x16xf32> to vector<16xf32>
        %swap3A_360 = vector.shape_cast %mul3A_355 : vector<16xf32> to vector<1x16xf32>
        tpu.vector_store %arg7[%swap3A_356, %swap3A_357], %swap3A_360 {strides = array<i32>} : memref<128x64xf32, #tpu.memory_space<vmem>>, vector<1x16xf32>,
        %get3A_361 = arith.index_cast %scan3A_336 : i32 to index
        %get3A_362 = arith.constant 32 : index
        %get3A_363 = tpu.vector_load %arg7[%get3A_361, %get3A_362] {strides = array<i32>} : memref<128x64xf32, #tpu.memory_space<vmem>>, vector<1x16xf32>,
        %get3A_364 = vector.shape_cast %get3A_363 : vector<1x16xf32> to vector<16xf32>
        %mul3A_365 = arith.constant 8.000000e+00 : f32
        %mul3A_366 = vector.broadcast %mul3A_365 : f32 to vector<16xf32>
        %mul3A_367 = arith.mulf %get3A_364, %mul3A_366 : vector<16xf32>
        %swap3A_368 = arith.index_cast %scan3A_336 : i32 to index
        %swap3A_369 = arith.constant 32 : index
        %swap3A_370 = tpu.vector_load %arg7[%swap3A_368, %swap3A_369] {strides = array<i32>} : memref<128x64xf32, #tpu.memory_space<vmem>>, vector<1x16xf32>,
        %swap3A_371 = vector.shape_cast %swap3A_370 : vector<1x16xf32> to vector<16xf32>
        %swap3A_372 = vector.shape_cast %mul3A_367 : vector<16xf32> to vector<1x16xf32>
        tpu.vector_store %arg7[%swap3A_368, %swap3A_369], %swap3A_372 {strides = array<i32>} : memref<128x64xf32, #tpu.memory_space<vmem>>, vector<1x16xf32>,
        %get3A_373 = arith.index_cast %scan3A_336 : i32 to index
        %get3A_374 = arith.constant 48 : index
        %get3A_375 = tpu.vector_load %arg7[%get3A_373, %get3A_374] {strides = array<i32>} : memref<128x64xf32, #tpu.memory_space<vmem>>, vector<1x16xf32>,
        %get3A_376 = vector.shape_cast %get3A_375 : vector<1x16xf32> to vector<16xf32>
        %mul3A_377 = arith.constant 8.000000e+00 : f32
        %mul3A_378 = vector.broadcast %mul3A_377 : f32 to vector<16xf32>
        %mul3A_379 = arith.mulf %get3A_376, %mul3A_378 : vector<16xf32>
        %swap3A_380 = arith.index_cast %scan3A_336 : i32 to index
        %swap3A_381 = arith.constant 48 : index
        %swap3A_382 = tpu.vector_load %arg7[%swap3A_380, %swap3A_381] {strides = array<i32>} : memref<128x64xf32, #tpu.memory_space<vmem>>, vector<1x16xf32>,
        %swap3A_383 = vector.shape_cast %swap3A_382 : vector<1x16xf32> to vector<16xf32>
        %swap3A_384 = vector.shape_cast %mul3A_379 : vector<16xf32> to vector<1x16xf32>
        tpu.vector_store %arg7[%swap3A_380, %swap3A_381], %swap3A_384 {strides = array<i32>} : memref<128x64xf32, #tpu.memory_space<vmem>>, vector<1x16xf32>,
        %scan3A_385 = arith.constant 0 : i32
        %scan3A_386 = arith.constant 2 : i32
        %scan3A_387 = arith.addi %scan3A_286, %scan3A_386 : i32
        %get3A_388 = arith.index_cast %scan3A_387 : i32 to index
        %get3A_389 = arith.constant 0 : index
        %get3A_390 = tpu.vector_load %arg7[%get3A_388, %get3A_389] {strides = array<i32>} : memref<128x64xf32, #tpu.memory_space<vmem>>, vector<1x16xf32>,
        %get3A_391 = vector.shape_cast %get3A_390 : vector<1x16xf32> to vector<16xf32>
        %mul3A_392 = arith.constant 8.000000e+00 : f32
        %mul3A_393 = vector.broadcast %mul3A_392 : f32 to vector<16xf32>
        %mul3A_394 = arith.mulf %get3A_391, %mul3A_393 : vector<16xf32>
        %swap3A_395 = arith.index_cast %scan3A_387 : i32 to index
        %swap3A_396 = arith.constant 0 : index
        %swap3A_397 = tpu.vector_load %arg7[%swap3A_395, %swap3A_396] {strides = array<i32>} : memref<128x64xf32, #tpu.memory_space<vmem>>, vector<1x16xf32>,
        %swap3A_398 = vector.shape_cast %swap3A_397 : vector<1x16xf32> to vector<16xf32>
        %swap3A_399 = vector.shape_cast %mul3A_394 : vector<16xf32> to vector<1x16xf32>
        tpu.vector_store %arg7[%swap3A_395, %swap3A_396], %swap3A_399 {strides = array<i32>} : memref<128x64xf32, #tpu.memory_space<vmem>>, vector<1x16xf32>,
        %get3A_400 = arith.index_cast %scan3A_387 : i32 to index
        %get3A_401 = arith.constant 16 : index
        %get3A_402 = tpu.vector_load %arg7[%get3A_400, %get3A_401] {strides = array<i32>} : memref<128x64xf32, #tpu.memory_space<vmem>>, vector<1x16xf32>,
        %get3A_403 = vector.shape_cast %get3A_402 : vector<1x16xf32> to vector<16xf32>
        %mul3A_404 = arith.constant 8.000000e+00 : f32
        %mul3A_405 = vector.broadcast %mul3A_404 : f32 to vector<16xf32>
        %mul3A_406 = arith.mulf %get3A_403, %mul3A_405 : vector<16xf32>
        %swap3A_407 = arith.index_cast %scan3A_387 : i32 to index
        %swap3A_408 = arith.constant 16 : index
        %swap3A_409 = tpu.vector_load %arg7[%swap3A_407, %swap3A_408] {strides = array<i32>} : memref<128x64xf32, #tpu.memory_space<vmem>>, vector<1x16xf32>,
        %swap3A_410 = vector.shape_cast %swap3A_409 : vector<1x16xf32> to vector<16xf32>
        %swap3A_411 = vector.shape_cast %mul3A_406 : vector<16xf32> to vector<1x16xf32>
        tpu.vector_store %arg7[%swap3A_407, %swap3A_408], %swap3A_411 {strides = array<i32>} : memref<128x64xf32, #tpu.memory_space<vmem>>, vector<1x16xf32>,
        %get3A_412 = arith.index_cast %scan3A_387 : i32 to index
        %get3A_413 = arith.constant 32 : index
        %get3A_414 = tpu.vector_load %arg7[%get3A_412, %get3A_413] {strides = array<i32>} : memref<128x64xf32, #tpu.memory_space<vmem>>, vector<1x16xf32>,
        %get3A_415 = vector.shape_cast %get3A_414 : vector<1x16xf32> to vector<16xf32>
        %mul3A_416 = arith.constant 8.000000e+00 : f32
        %mul3A_417 = vector.broadcast %mul3A_416 : f32 to vector<16xf32>
        %mul3A_418 = arith.mulf %get3A_415, %mul3A_417 : vector<16xf32>
        %swap3A_419 = arith.index_cast %scan3A_387 : i32 to index
        %swap3A_420 = arith.constant 32 : index
        %swap3A_421 = tpu.vector_load %arg7[%swap3A_419, %swap3A_420] {strides = array<i32>} : memref<128x64xf32, #tpu.memory_space<vmem>>, vector<1x16xf32>,
        %swap3A_422 = vector.shape_cast %swap3A_421 : vector<1x16xf32> to vector<16xf32>
        %swap3A_423 = vector.shape_cast %mul3A_418 : vector<16xf32> to vector<1x16xf32>
        tpu.vector_store %arg7[%swap3A_419, %swap3A_420], %swap3A_423 {strides = array<i32>} : memref<128x64xf32, #tpu.memory_space<vmem>>, vector<1x16xf32>,
        %get3A_424 = arith.index_cast %scan3A_387 : i32 to index
        %get3A_425 = arith.constant 48 : index
        %get3A_426 = tpu.vector_load %arg7[%get3A_424, %get3A_425] {strides = array<i32>} : memref<128x64xf32, #tpu.memory_space<vmem>>, vector<1x16xf32>,
        %get3A_427 = vector.shape_cast %get3A_426 : vector<1x16xf32> to vector<16xf32>
        %mul3A_428 = arith.constant 8.000000e+00 : f32
        %mul3A_429 = vector.broadcast %mul3A_428 : f32 to vector<16xf32>
        %mul3A_430 = arith.mulf %get3A_427, %mul3A_429 : vector<16xf32>
        %swap3A_431 = arith.index_cast %scan3A_387 : i32 to index
        %swap3A_432 = arith.constant 48 : index
        %swap3A_433 = tpu.vector_load %arg7[%swap3A_431, %swap3A_432] {strides = array<i32>} : memref<128x64xf32, #tpu.memory_space<vmem>>, vector<1x16xf32>,
        %swap3A_434 = vector.shape_cast %swap3A_433 : vector<1x16xf32> to vector<16xf32>
        %swap3A_435 = vector.shape_cast %mul3A_430 : vector<16xf32> to vector<1x16xf32>
        tpu.vector_store %arg7[%swap3A_431, %swap3A_432], %swap3A_435 {strides = array<i32>} : memref<128x64xf32, #tpu.memory_space<vmem>>, vector<1x16xf32>,
        %scan3A_436 = arith.constant 0 : i32
        %scan3A_437 = arith.constant 3 : i32
        %scan3A_438 = arith.addi %scan3A_286, %scan3A_437 : i32
        %get3A_439 = arith.index_cast %scan3A_438 : i32 to index
        %get3A_440 = arith.constant 0 : index
        %get3A_441 = tpu.vector_load %arg7[%get3A_439, %get3A_440] {strides = array<i32>} : memref<128x64xf32, #tpu.memory_space<vmem>>, vector<1x16xf32>,
        %get3A_442 = vector.shape_cast %get3A_441 : vector<1x16xf32> to vector<16xf32>
        %mul3A_443 = arith.constant 8.000000e+00 : f32
        %mul3A_444 = vector.broadcast %mul3A_443 : f32 to vector<16xf32>
        %mul3A_445 = arith.mulf %get3A_442, %mul3A_444 : vector<16xf32>
        %swap3A_446 = arith.index_cast %scan3A_438 : i32 to index
        %swap3A_447 = arith.constant 0 : index
        %swap3A_448 = tpu.vector_load %arg7[%swap3A_446, %swap3A_447] {strides = array<i32>} : memref<128x64xf32, #tpu.memory_space<vmem>>, vector<1x16xf32>,
        %swap3A_449 = vector.shape_cast %swap3A_448 : vector<1x16xf32> to vector<16xf32>
        %swap3A_450 = vector.shape_cast %mul3A_445 : vector<16xf32> to vector<1x16xf32>
        tpu.vector_store %arg7[%swap3A_446, %swap3A_447], %swap3A_450 {strides = array<i32>} : memref<128x64xf32, #tpu.memory_space<vmem>>, vector<1x16xf32>,
        %get3A_451 = arith.index_cast %scan3A_438 : i32 to index
        %get3A_452 = arith.constant 16 : index
        %get3A_453 = tpu.vector_load %arg7[%get3A_451, %get3A_452] {strides = array<i32>} : memref<128x64xf32, #tpu.memory_space<vmem>>, vector<1x16xf32>,
        %get3A_454 = vector.shape_cast %get3A_453 : vector<1x16xf32> to vector<16xf32>
        %mul3A_455 = arith.constant 8.000000e+00 : f32
        %mul3A_456 = vector.broadcast %mul3A_455 : f32 to vector<16xf32>
        %mul3A_457 = arith.mulf %get3A_454, %mul3A_456 : vector<16xf32>
        %swap3A_458 = arith.index_cast %scan3A_438 : i32 to index
        %swap3A_459 = arith.constant 16 : index
        %swap3A_460 = tpu.vector_load %arg7[%swap3A_458, %swap3A_459] {strides = array<i32>} : memref<128x64xf32, #tpu.memory_space<vmem>>, vector<1x16xf32>,
        %swap3A_461 = vector.shape_cast %swap3A_460 : vector<1x16xf32> to vector<16xf32>
        %swap3A_462 = vector.shape_cast %mul3A_457 : vector<16xf32> to vector<1x16xf32>
        tpu.vector_store %arg7[%swap3A_458, %swap3A_459], %swap3A_462 {strides = array<i32>} : memref<128x64xf32, #tpu.memory_space<vmem>>, vector<1x16xf32>,
        %get3A_463 = arith.index_cast %scan3A_438 : i32 to index
        %get3A_464 = arith.constant 32 : index
        %get3A_465 = tpu.vector_load %arg7[%get3A_463, %get3A_464] {strides = array<i32>} : memref<128x64xf32, #tpu.memory_space<vmem>>, vector<1x16xf32>,
        %get3A_466 = vector.shape_cast %get3A_465 : vector<1x16xf32> to vector<16xf32>
        %mul3A_467 = arith.constant 8.000000e+00 : f32
        %mul3A_468 = vector.broadcast %mul3A_467 : f32 to vector<16xf32>
        %mul3A_469 = arith.mulf %get3A_466, %mul3A_468 : vector<16xf32>
        %swap3A_470 = arith.index_cast %scan3A_438 : i32 to index
        %swap3A_471 = arith.constant 32 : index
        %swap3A_472 = tpu.vector_load %arg7[%swap3A_470, %swap3A_471] {strides = array<i32>} : memref<128x64xf32, #tpu.memory_space<vmem>>, vector<1x16xf32>,
        %swap3A_473 = vector.shape_cast %swap3A_472 : vector<1x16xf32> to vector<16xf32>
        %swap3A_474 = vector.shape_cast %mul3A_469 : vector<16xf32> to vector<1x16xf32>
        tpu.vector_store %arg7[%swap3A_470, %swap3A_471], %swap3A_474 {strides = array<i32>} : memref<128x64xf32, #tpu.memory_space<vmem>>, vector<1x16xf32>,
        %get3A_475 = arith.index_cast %scan3A_438 : i32 to index
        %get3A_476 = arith.constant 48 : index
        %get3A_477 = tpu.vector_load %arg7[%get3A_475, %get3A_476] {strides = array<i32>} : memref<128x64xf32, #tpu.memory_space<vmem>>, vector<1x16xf32>,
        %get3A_478 = vector.shape_cast %get3A_477 : vector<1x16xf32> to vector<16xf32>
        %mul3A_479 = arith.constant 8.000000e+00 : f32
        %mul3A_480 = vector.broadcast %mul3A_479 : f32 to vector<16xf32>
        %mul3A_481 = arith.mulf %get3A_478, %mul3A_480 : vector<16xf32>
        %swap3A_482 = arith.index_cast %scan3A_438 : i32 to index
        %swap3A_483 = arith.constant 48 : index
        %swap3A_484 = tpu.vector_load %arg7[%swap3A_482, %swap3A_483] {strides = array<i32>} : memref<128x64xf32, #tpu.memory_space<vmem>>, vector<1x16xf32>,
        %swap3A_485 = vector.shape_cast %swap3A_484 : vector<1x16xf32> to vector<16xf32>
        %swap3A_486 = vector.shape_cast %mul3A_481 : vector<16xf32> to vector<1x16xf32>
        tpu.vector_store %arg7[%swap3A_482, %swap3A_483], %swap3A_486 {strides = array<i32>} : memref<128x64xf32, #tpu.memory_space<vmem>>, vector<1x16xf32>,
        %scan3A_487 = arith.constant 0 : i32
        scf.yield %scan3A_487 : i32
      }
      %scan3A_144 = arith.constant 128 : i32
      "tpu.region"() ({
        %run_scoped3A = tpu.sem_alloc : memref<!tpu.dma_semaphore, #tpu.memory_space<semaphore_mem>>
        %dma_start3A_286 = arith.constant 0 : i32
        %dma_start3A_287 = tpu.memref_slice %arg4[%mul3A_2, %add3A_91, %dma_start3A_286] : memref<4096x200x64xf32, #tpu.memory_space<hbm>> -> memref<128x1x64xf32, #tpu.memory_space<hbm>>
        %dma_start3A_288 = tpu.memref_squeeze %dma_start3A_287 : memref<128x1x64xf32, #tpu.memory_space<hbm>> -> memref<128x64xf32, #tpu.memory_space<hbm>>
        %dma_start3A_289 = arith.constant 0 : i32
        %dma_start3A_290 = tpu.memref_slice %arg4[%mul3A_2, %add3A_91, %dma_start3A_289] : memref<4096x200x64xf32, #tpu.memory_space<hbm>> -> memref<128x1x64xf32, #tpu.memory_space<hbm>>
        %dma_start3A_291 = tpu.memref_squeeze %dma_start3A_290 : memref<128x1x64xf32, #tpu.memory_space<hbm>> -> memref<128x64xf32, #tpu.memory_space<hbm>>
        tpu.enqueue_dma source(%arg7 : memref<128x64xf32, #tpu.memory_space<vmem>>) target(%dma_start3A_291 : memref<128x64xf32, #tpu.memory_space<hbm>>) target_semaphore(%run_scoped3A : memref<!tpu.dma_semaphore, #tpu.memory_space<semaphore_mem>>)
        %dma_wait3A_292 = arith.constant 0 : i32
        %dma_wait3A_293 = tpu.memref_slice %arg4[%mul3A_2, %add3A_91, %dma_wait3A_292] : memref<4096x200x64xf32, #tpu.memory_space<hbm>> -> memref<128x1x64xf32, #tpu.memory_space<hbm>>
        %dma_wait3A_294 = tpu.memref_squeeze %dma_wait3A_293 : memref<128x1x64xf32, #tpu.memory_space<hbm>> -> memref<128x64xf32, #tpu.memory_space<hbm>>
        %dma_wait3A_295 = arith.constant 0 : i32
        %dma_wait3A_296 = tpu.memref_slice %arg4[%mul3A_2, %add3A_91, %dma_wait3A_295] : memref<4096x200x64xf32, #tpu.memory_space<hbm>> -> memref<128x1x64xf32, #tpu.memory_space<hbm>>
        %dma_wait3A_297 = tpu.memref_squeeze %dma_wait3A_296 : memref<128x1x64xf32, #tpu.memory_space<hbm>> -> memref<128x64xf32, #tpu.memory_space<hbm>>
        tpu.wait_dma2 semaphore(%run_scoped3A : memref<!tpu.dma_semaphore, #tpu.memory_space<semaphore_mem>>) src(%arg7 : memref<128x64xf32, #tpu.memory_space<vmem>>) dst(%dma_wait3A_297 : memref<128x64xf32, #tpu.memory_space<hbm>>)
        tpu.yield
      }) : () -> ()
      %add3A_145 = arith.constant 4 : i32
      %add3A_146 = arith.addi %add3A_91, %add3A_145 : i32
      %sub3A_147 = arith.constant 1 : i32
      %sub3A_148 = arith.subi %add3A_146, %sub3A_147 : i32
      %lt3A_149 = arith.constant 200 : i32
      %lt3A_150 = arith.cmpi slt, %sub3A_148, %lt3A_149 : i32
      %convert_element_type3A_151 = arith.extui %lt3A_150 : i1 to i32
      %cond3A_152 = arith.constant 0 : i32
      %cond3A_153 = arith.cmpi ne, %convert_element_type3A_151, %cond3A_152 : i32
      scf.if %cond3A_153 {
        %add3A_286 = arith.constant 4 : i32
        %add3A_287 = arith.addi %add3A_91, %add3A_286 : i32
        %sub3A_288 = arith.constant 1 : i32
        %sub3A_289 = arith.subi %add3A_287, %sub3A_288 : i32
        %jit3A_290 = arith.constant 8 : i32
        %div3A_291 = arith.divsi %sub3A_289, %jit3A_290 : i32
        %sign3A_292 = arith.constant 0 : i32
        %sign3A_293 = arith.cmpi sgt, %sub3A_289, %sign3A_292 : i32
        %sign3A_294 = arith.extui %sign3A_293 : i1 to i32
        %sign3A_295 = arith.constant 0 : i32
        %sign3A_296 = arith.cmpi slt, %sub3A_289, %sign3A_295 : i32
        %sign3A_297 = arith.extui %sign3A_296 : i1 to i32
        %sign3A_298 = arith.subi %sign3A_294, %sign3A_297 : i32
        %sign3A_299 = arith.constant 0 : i32
        %sign3A_300 = arith.cmpi sgt, %jit3A_290, %sign3A_299 : i32
        %sign3A_301 = arith.extui %sign3A_300 : i1 to i32
        %sign3A_302 = arith.constant 0 : i32
        %sign3A_303 = arith.cmpi slt, %jit3A_290, %sign3A_302 : i32
        %sign3A_304 = arith.extui %sign3A_303 : i1 to i32
        %sign3A_305 = arith.subi %sign3A_301, %sign3A_304 : i32
        %ne3A_306 = arith.cmpi ne, %sign3A_298, %sign3A_305 : i32
        %rem3A_307 = arith.remsi %sub3A_289, %jit3A_290 : i32
        %ne3A_308 = arith.constant 0 : i32
        %ne3A_309 = arith.cmpi ne, %rem3A_307, %ne3A_308 : i32
        %and3A_310 = arith.andi %ne3A_306, %ne3A_309 : i1
        %sub3A_311 = arith.constant 1 : i32
        %sub3A_312 = arith.subi %div3A_291, %sub3A_311 : i32
        %select_n3A_313 = arith.select %and3A_310, %sub3A_312, %div3A_291 : i32
        %jit3A_314 = arith.constant 8 : i32
        %eq3A_315 = arith.constant 0 : i32
        %eq3A_316 = arith.cmpi eq, %jit3A_314, %eq3A_315 : i32
        %jit3A_317 = arith.constant 1 : i32
        %select_n3A_318 = arith.select %eq3A_316, %jit3A_317, %jit3A_314 : i32
        %rem3A_319 = arith.remsi %sub3A_289, %select_n3A_318 : i32
        %ne3A_320 = arith.constant 0 : i32
        %ne3A_321 = arith.cmpi ne, %rem3A_319, %ne3A_320 : i32
        %lt3A_322 = arith.constant 0 : i32
        %lt3A_323 = arith.cmpi slt, %rem3A_319, %lt3A_322 : i32
        %lt3A_324 = arith.constant 0 : i32
        %lt3A_325 = arith.cmpi slt, %select_n3A_318, %lt3A_324 : i32
        %ne3A_326 = arith.xori %lt3A_323, %lt3A_325 : i1
        %and3A_327 = arith.andi %ne3A_326, %ne3A_321 : i1
        %add3A_328 = arith.addi %rem3A_319, %select_n3A_318 : i32
        %select_n3A_329 = arith.select %and3A_327, %add3A_328, %rem3A_319 : i32
        %dma_start3A_330 = arith.constant 0 : i32
        %dma_start3A_331 = tpu.memref_slice %arg5[%select_n3A_313, %select_n3A_329, %dma_start3A_330] : memref<25x8x128xi32, #tpu.memory_space<vmem>> -> memref<1x1x128xi32, #tpu.memory_space<vmem>>
        %dma_start3A_332 = tpu.memref_squeeze %dma_start3A_331 : memref<1x1x128xi32, #tpu.memory_space<vmem>> -> memref<128xi32, #tpu.memory_space<vmem>>
        %dma_start3A_333 = arith.constant 0 : i32
        %dma_start3A_334 = arith.constant 0 : i32
        %dma_start3A_335 = tpu.memref_slice %arg3[%dma_start3A_333, %dma_start3A_334] : memref<1000000x64xf32, #tpu.memory_space<hbm>> -> memref<1000000x64xf32, #tpu.memory_space<hbm>>
        tpu.enqueue_indirect_dma source(%dma_start3A_335 : memref<1000000x64xf32, #tpu.memory_space<hbm>>) target(%arg6 : memref<128x64xf32, #tpu.memory_space<vmem>>) offsets(%dma_start3A_332 : memref<128xi32, #tpu.memory_space<vmem>>) semaphore(%arg10 : memref<!tpu.dma_semaphore, #tpu.memory_space<semaphore_mem>>)
      } else {
      }
      %mul3A_154 = arith.constant 4 : i32
      %mul3A_155 = arith.muli %add3A_34, %mul3A_154 : i32
      %add3A_156 = arith.constant 2 : i32
      %add3A_157 = arith.addi %mul3A_155, %add3A_156 : i32
      %jit3A_158 = arith.constant 8 : i32
      %div3A_159 = arith.divsi %add3A_157, %jit3A_158 : i32
      %sign3A_160 = arith.constant 0 : i32
      %sign3A_161 = arith.cmpi sgt, %add3A_157, %sign3A_160 : i32
      %sign3A_162 = arith.extui %sign3A_161 : i1 to i32
      %sign3A_163 = arith.constant 0 : i32
      %sign3A_164 = arith.cmpi slt, %add3A_157, %sign3A_163 : i32
      %sign3A_165 = arith.extui %sign3A_164 : i1 to i32
      %sign3A_166 = arith.subi %sign3A_162, %sign3A_165 : i32
      %sign3A_167 = arith.constant 0 : i32
      %sign3A_168 = arith.cmpi sgt, %jit3A_158, %sign3A_167 : i32
      %sign3A_169 = arith.extui %sign3A_168 : i1 to i32
      %sign3A_170 = arith.constant 0 : i32
      %sign3A_171 = arith.cmpi slt, %jit3A_158, %sign3A_170 : i32
      %sign3A_172 = arith.extui %sign3A_171 : i1 to i32
      %sign3A_173 = arith.subi %sign3A_169, %sign3A_172 : i32
      %ne3A_174 = arith.cmpi ne, %sign3A_166, %sign3A_173 : i32
      %rem3A_175 = arith.remsi %add3A_157, %jit3A_158 : i32
      %ne3A_176 = arith.constant 0 : i32
      %ne3A_177 = arith.cmpi ne, %rem3A_175, %ne3A_176 : i32
      %and3A_178 = arith.andi %ne3A_174, %ne3A_177 : i1
      %sub3A_179 = arith.constant 1 : i32
      %sub3A_180 = arith.subi %div3A_159, %sub3A_179 : i32
      %select_n3A_181 = arith.select %and3A_178, %sub3A_180, %div3A_159 : i32
      %jit3A_182 = arith.constant 8 : i32
      %eq3A_183 = arith.constant 0 : i32
      %eq3A_184 = arith.cmpi eq, %jit3A_182, %eq3A_183 : i32
      %jit3A_185 = arith.constant 1 : i32
      %select_n3A_186 = arith.select %eq3A_184, %jit3A_185, %jit3A_182 : i32
      %rem3A_187 = arith.remsi %add3A_157, %select_n3A_186 : i32
      %ne3A_188 = arith.constant 0 : i32
      %ne3A_189 = arith.cmpi ne, %rem3A_187, %ne3A_188 : i32
      %lt3A_190 = arith.constant 0 : i32
      %lt3A_191 = arith.cmpi slt, %rem3A_187, %lt3A_190 : i32
      %lt3A_192 = arith.constant 0 : i32
      %lt3A_193 = arith.cmpi slt, %select_n3A_186, %lt3A_192 : i32
      %ne3A_194 = arith.xori %lt3A_191, %lt3A_193 : i1
      %and3A_195 = arith.andi %ne3A_194, %ne3A_189 : i1
      %add3A_196 = arith.addi %rem3A_187, %select_n3A_186 : i32
      %select_n3A_197 = arith.select %and3A_195, %add3A_196, %rem3A_187 : i32
      %dma_wait3A_198 = arith.constant 0 : i32
      %dma_wait3A_199 = tpu.memref_slice %arg5[%select_n3A_181, %select_n3A_197, %dma_wait3A_198] : memref<25x8x128xi32, #tpu.memory_space<vmem>> -> memref<1x1x128xi32, #tpu.memory_space<vmem>>
      %dma_wait3A_200 = tpu.memref_squeeze %dma_wait3A_199 : memref<1x1x128xi32, #tpu.memory_space<vmem>> -> memref<128xi32, #tpu.memory_space<vmem>>
      %dma_wait3A_201 = arith.constant 0 : i32
      %dma_wait3A_202 = arith.constant 0 : i32
      %dma_wait3A_203 = tpu.memref_slice %arg3[%dma_wait3A_201, %dma_wait3A_202] : memref<1000000x64xf32, #tpu.memory_space<hbm>> -> memref<1000000x64xf32, #tpu.memory_space<hbm>>
      tpu.wait_indirect_dma semaphore(%arg12 : memref<!tpu.dma_semaphore, #tpu.memory_space<semaphore_mem>>) src(%dma_wait3A_203 : memref<1000000x64xf32, #tpu.memory_space<hbm>>) dst(%arg8 : memref<128x64xf32, #tpu.memory_space<vmem>>)
      %scan3A_204 = arith.constant 0 : i32
      %scan3A_205 = arith.constant 0 : i32
      %scan3A_206 = arith.constant 128 : i32
      %scan3A_207 = arith.addi %scan3A_205, %scan3A_206 : i32
      %scan3A_208 = arith.constant 4 : i32
      %scan3A_209 = scf.for %scan3A_286 = %scan3A_205 to %scan3A_207 step %scan3A_208 iter_args(%scan3A_287 = %scan3A_204) -> (i32)  : i32 {
        %get3A = arith.index_cast %scan3A_286 : i32 to index
        %get3A_288 = arith.constant 0 : index
        %get3A_289 = tpu.vector_load %arg8[%get3A, %get3A_288] {strides = array<i32>} : memref<128x64xf32, #tpu.memory_space<vmem>>, vector<1x16xf32>,
        %get3A_290 = vector.shape_cast %get3A_289 : vector<1x16xf32> to vector<16xf32>
        %mul3A_291 = arith.constant 8.000000e+00 : f32
        %mul3A_292 = vector.broadcast %mul3A_291 : f32 to vector<16xf32>
        %mul3A_293 = arith.mulf %get3A_290, %mul3A_292 : vector<16xf32>
        %swap3A = arith.index_cast %scan3A_286 : i32 to index
        %swap3A_294 = arith.constant 0 : index
        %swap3A_295 = tpu.vector_load %arg8[%swap3A, %swap3A_294] {strides = array<i32>} : memref<128x64xf32, #tpu.memory_space<vmem>>, vector<1x16xf32>,
        %swap3A_296 = vector.shape_cast %swap3A_295 : vector<1x16xf32> to vector<16xf32>
        %swap3A_297 = vector.shape_cast %mul3A_293 : vector<16xf32> to vector<1x16xf32>
        tpu.vector_store %arg8[%swap3A, %swap3A_294], %swap3A_297 {strides = array<i32>} : memref<128x64xf32, #tpu.memory_space<vmem>>, vector<1x16xf32>,
        %get3A_298 = arith.index_cast %scan3A_286 : i32 to index
        %get3A_299 = arith.constant 16 : index
        %get3A_300 = tpu.vector_load %arg8[%get3A_298, %get3A_299] {strides = array<i32>} : memref<128x64xf32, #tpu.memory_space<vmem>>, vector<1x16xf32>,
        %get3A_301 = vector.shape_cast %get3A_300 : vector<1x16xf32> to vector<16xf32>
        %mul3A_302 = arith.constant 8.000000e+00 : f32
        %mul3A_303 = vector.broadcast %mul3A_302 : f32 to vector<16xf32>
        %mul3A_304 = arith.mulf %get3A_301, %mul3A_303 : vector<16xf32>
        %swap3A_305 = arith.index_cast %scan3A_286 : i32 to index
        %swap3A_306 = arith.constant 16 : index
        %swap3A_307 = tpu.vector_load %arg8[%swap3A_305, %swap3A_306] {strides = array<i32>} : memref<128x64xf32, #tpu.memory_space<vmem>>, vector<1x16xf32>,
        %swap3A_308 = vector.shape_cast %swap3A_307 : vector<1x16xf32> to vector<16xf32>
        %swap3A_309 = vector.shape_cast %mul3A_304 : vector<16xf32> to vector<1x16xf32>
        tpu.vector_store %arg8[%swap3A_305, %swap3A_306], %swap3A_309 {strides = array<i32>} : memref<128x64xf32, #tpu.memory_space<vmem>>, vector<1x16xf32>,
        %get3A_310 = arith.index_cast %scan3A_286 : i32 to index
        %get3A_311 = arith.constant 32 : index
        %get3A_312 = tpu.vector_load %arg8[%get3A_310, %get3A_311] {strides = array<i32>} : memref<128x64xf32, #tpu.memory_space<vmem>>, vector<1x16xf32>,
        %get3A_313 = vector.shape_cast %get3A_312 : vector<1x16xf32> to vector<16xf32>
        %mul3A_314 = arith.constant 8.000000e+00 : f32
        %mul3A_315 = vector.broadcast %mul3A_314 : f32 to vector<16xf32>
        %mul3A_316 = arith.mulf %get3A_313, %mul3A_315 : vector<16xf32>
        %swap3A_317 = arith.index_cast %scan3A_286 : i32 to index
        %swap3A_318 = arith.constant 32 : index
        %swap3A_319 = tpu.vector_load %arg8[%swap3A_317, %swap3A_318] {strides = array<i32>} : memref<128x64xf32, #tpu.memory_space<vmem>>, vector<1x16xf32>,
        %swap3A_320 = vector.shape_cast %swap3A_319 : vector<1x16xf32> to vector<16xf32>
        %swap3A_321 = vector.shape_cast %mul3A_316 : vector<16xf32> to vector<1x16xf32>
        tpu.vector_store %arg8[%swap3A_317, %swap3A_318], %swap3A_321 {strides = array<i32>} : memref<128x64xf32, #tpu.memory_space<vmem>>, vector<1x16xf32>,
        %get3A_322 = arith.index_cast %scan3A_286 : i32 to index
        %get3A_323 = arith.constant 48 : index
        %get3A_324 = tpu.vector_load %arg8[%get3A_322, %get3A_323] {strides = array<i32>} : memref<128x64xf32, #tpu.memory_space<vmem>>, vector<1x16xf32>,
        %get3A_325 = vector.shape_cast %get3A_324 : vector<1x16xf32> to vector<16xf32>
        %mul3A_326 = arith.constant 8.000000e+00 : f32
        %mul3A_327 = vector.broadcast %mul3A_326 : f32 to vector<16xf32>
        %mul3A_328 = arith.mulf %get3A_325, %mul3A_327 : vector<16xf32>
        %swap3A_329 = arith.index_cast %scan3A_286 : i32 to index
        %swap3A_330 = arith.constant 48 : index
        %swap3A_331 = tpu.vector_load %arg8[%swap3A_329, %swap3A_330] {strides = array<i32>} : memref<128x64xf32, #tpu.memory_space<vmem>>, vector<1x16xf32>,
        %swap3A_332 = vector.shape_cast %swap3A_331 : vector<1x16xf32> to vector<16xf32>
        %swap3A_333 = vector.shape_cast %mul3A_328 : vector<16xf32> to vector<1x16xf32>
        tpu.vector_store %arg8[%swap3A_329, %swap3A_330], %swap3A_333 {strides = array<i32>} : memref<128x64xf32, #tpu.memory_space<vmem>>, vector<1x16xf32>,
        %scan3A_334 = arith.constant 0 : i32
        %scan3A_335 = arith.constant 1 : i32
        %scan3A_336 = arith.addi %scan3A_286, %scan3A_335 : i32
        %get3A_337 = arith.index_cast %scan3A_336 : i32 to index
        %get3A_338 = arith.constant 0 : index
        %get3A_339 = tpu.vector_load %arg8[%get3A_337, %get3A_338] {strides = array<i32>} : memref<128x64xf32, #tpu.memory_space<vmem>>, vector<1x16xf32>,
        %get3A_340 = vector.shape_cast %get3A_339 : vector<1x16xf32> to vector<16xf32>
        %mul3A_341 = arith.constant 8.000000e+00 : f32
        %mul3A_342 = vector.broadcast %mul3A_341 : f32 to vector<16xf32>
        %mul3A_343 = arith.mulf %get3A_340, %mul3A_342 : vector<16xf32>
        %swap3A_344 = arith.index_cast %scan3A_336 : i32 to index
        %swap3A_345 = arith.constant 0 : index
        %swap3A_346 = tpu.vector_load %arg8[%swap3A_344, %swap3A_345] {strides = array<i32>} : memref<128x64xf32, #tpu.memory_space<vmem>>, vector<1x16xf32>,
        %swap3A_347 = vector.shape_cast %swap3A_346 : vector<1x16xf32> to vector<16xf32>
        %swap3A_348 = vector.shape_cast %mul3A_343 : vector<16xf32> to vector<1x16xf32>
        tpu.vector_store %arg8[%swap3A_344, %swap3A_345], %swap3A_348 {strides = array<i32>} : memref<128x64xf32, #tpu.memory_space<vmem>>, vector<1x16xf32>,
        %get3A_349 = arith.index_cast %scan3A_336 : i32 to index
        %get3A_350 = arith.constant 16 : index
        %get3A_351 = tpu.vector_load %arg8[%get3A_349, %get3A_350] {strides = array<i32>} : memref<128x64xf32, #tpu.memory_space<vmem>>, vector<1x16xf32>,
        %get3A_352 = vector.shape_cast %get3A_351 : vector<1x16xf32> to vector<16xf32>
        %mul3A_353 = arith.constant 8.000000e+00 : f32
        %mul3A_354 = vector.broadcast %mul3A_353 : f32 to vector<16xf32>
        %mul3A_355 = arith.mulf %get3A_352, %mul3A_354 : vector<16xf32>
        %swap3A_356 = arith.index_cast %scan3A_336 : i32 to index
        %swap3A_357 = arith.constant 16 : index
        %swap3A_358 = tpu.vector_load %arg8[%swap3A_356, %swap3A_357] {strides = array<i32>} : memref<128x64xf32, #tpu.memory_space<vmem>>, vector<1x16xf32>,
        %swap3A_359 = vector.shape_cast %swap3A_358 : vector<1x16xf32> to vector<16xf32>
        %swap3A_360 = vector.shape_cast %mul3A_355 : vector<16xf32> to vector<1x16xf32>
        tpu.vector_store %arg8[%swap3A_356, %swap3A_357], %swap3A_360 {strides = array<i32>} : memref<128x64xf32, #tpu.memory_space<vmem>>, vector<1x16xf32>,
        %get3A_361 = arith.index_cast %scan3A_336 : i32 to index
        %get3A_362 = arith.constant 32 : index
        %get3A_363 = tpu.vector_load %arg8[%get3A_361, %get3A_362] {strides = array<i32>} : memref<128x64xf32, #tpu.memory_space<vmem>>, vector<1x16xf32>,
        %get3A_364 = vector.shape_cast %get3A_363 : vector<1x16xf32> to vector<16xf32>
        %mul3A_365 = arith.constant 8.000000e+00 : f32
        %mul3A_366 = vector.broadcast %mul3A_365 : f32 to vector<16xf32>
        %mul3A_367 = arith.mulf %get3A_364, %mul3A_366 : vector<16xf32>
        %swap3A_368 = arith.index_cast %scan3A_336 : i32 to index
        %swap3A_369 = arith.constant 32 : index
        %swap3A_370 = tpu.vector_load %arg8[%swap3A_368, %swap3A_369] {strides = array<i32>} : memref<128x64xf32, #tpu.memory_space<vmem>>, vector<1x16xf32>,
        %swap3A_371 = vector.shape_cast %swap3A_370 : vector<1x16xf32> to vector<16xf32>
        %swap3A_372 = vector.shape_cast %mul3A_367 : vector<16xf32> to vector<1x16xf32>
        tpu.vector_store %arg8[%swap3A_368, %swap3A_369], %swap3A_372 {strides = array<i32>} : memref<128x64xf32, #tpu.memory_space<vmem>>, vector<1x16xf32>,
        %get3A_373 = arith.index_cast %scan3A_336 : i32 to index
        %get3A_374 = arith.constant 48 : index
        %get3A_375 = tpu.vector_load %arg8[%get3A_373, %get3A_374] {strides = array<i32>} : memref<128x64xf32, #tpu.memory_space<vmem>>, vector<1x16xf32>,
        %get3A_376 = vector.shape_cast %get3A_375 : vector<1x16xf32> to vector<16xf32>
        %mul3A_377 = arith.constant 8.000000e+00 : f32
        %mul3A_378 = vector.broadcast %mul3A_377 : f32 to vector<16xf32>
        %mul3A_379 = arith.mulf %get3A_376, %mul3A_378 : vector<16xf32>
        %swap3A_380 = arith.index_cast %scan3A_336 : i32 to index
        %swap3A_381 = arith.constant 48 : index
        %swap3A_382 = tpu.vector_load %arg8[%swap3A_380, %swap3A_381] {strides = array<i32>} : memref<128x64xf32, #tpu.memory_space<vmem>>, vector<1x16xf32>,
        %swap3A_383 = vector.shape_cast %swap3A_382 : vector<1x16xf32> to vector<16xf32>
        %swap3A_384 = vector.shape_cast %mul3A_379 : vector<16xf32> to vector<1x16xf32>
        tpu.vector_store %arg8[%swap3A_380, %swap3A_381], %swap3A_384 {strides = array<i32>} : memref<128x64xf32, #tpu.memory_space<vmem>>, vector<1x16xf32>,
        %scan3A_385 = arith.constant 0 : i32
        %scan3A_386 = arith.constant 2 : i32
        %scan3A_387 = arith.addi %scan3A_286, %scan3A_386 : i32
        %get3A_388 = arith.index_cast %scan3A_387 : i32 to index
        %get3A_389 = arith.constant 0 : index
        %get3A_390 = tpu.vector_load %arg8[%get3A_388, %get3A_389] {strides = array<i32>} : memref<128x64xf32, #tpu.memory_space<vmem>>, vector<1x16xf32>,
        %get3A_391 = vector.shape_cast %get3A_390 : vector<1x16xf32> to vector<16xf32>
        %mul3A_392 = arith.constant 8.000000e+00 : f32
        %mul3A_393 = vector.broadcast %mul3A_392 : f32 to vector<16xf32>
        %mul3A_394 = arith.mulf %get3A_391, %mul3A_393 : vector<16xf32>
        %swap3A_395 = arith.index_cast %scan3A_387 : i32 to index
        %swap3A_396 = arith.constant 0 : index
        %swap3A_397 = tpu.vector_load %arg8[%swap3A_395, %swap3A_396] {strides = array<i32>} : memref<128x64xf32, #tpu.memory_space<vmem>>, vector<1x16xf32>,
        %swap3A_398 = vector.shape_cast %swap3A_397 : vector<1x16xf32> to vector<16xf32>
        %swap3A_399 = vector.shape_cast %mul3A_394 : vector<16xf32> to vector<1x16xf32>
        tpu.vector_store %arg8[%swap3A_395, %swap3A_396], %swap3A_399 {strides = array<i32>} : memref<128x64xf32, #tpu.memory_space<vmem>>, vector<1x16xf32>,
        %get3A_400 = arith.index_cast %scan3A_387 : i32 to index
        %get3A_401 = arith.constant 16 : index
        %get3A_402 = tpu.vector_load %arg8[%get3A_400, %get3A_401] {strides = array<i32>} : memref<128x64xf32, #tpu.memory_space<vmem>>, vector<1x16xf32>,
        %get3A_403 = vector.shape_cast %get3A_402 : vector<1x16xf32> to vector<16xf32>
        %mul3A_404 = arith.constant 8.000000e+00 : f32
        %mul3A_405 = vector.broadcast %mul3A_404 : f32 to vector<16xf32>
        %mul3A_406 = arith.mulf %get3A_403, %mul3A_405 : vector<16xf32>
        %swap3A_407 = arith.index_cast %scan3A_387 : i32 to index
        %swap3A_408 = arith.constant 16 : index
        %swap3A_409 = tpu.vector_load %arg8[%swap3A_407, %swap3A_408] {strides = array<i32>} : memref<128x64xf32, #tpu.memory_space<vmem>>, vector<1x16xf32>,
        %swap3A_410 = vector.shape_cast %swap3A_409 : vector<1x16xf32> to vector<16xf32>
        %swap3A_411 = vector.shape_cast %mul3A_406 : vector<16xf32> to vector<1x16xf32>
        tpu.vector_store %arg8[%swap3A_407, %swap3A_408], %swap3A_411 {strides = array<i32>} : memref<128x64xf32, #tpu.memory_space<vmem>>, vector<1x16xf32>,
        %get3A_412 = arith.index_cast %scan3A_387 : i32 to index
        %get3A_413 = arith.constant 32 : index
        %get3A_414 = tpu.vector_load %arg8[%get3A_412, %get3A_413] {strides = array<i32>} : memref<128x64xf32, #tpu.memory_space<vmem>>, vector<1x16xf32>,
        %get3A_415 = vector.shape_cast %get3A_414 : vector<1x16xf32> to vector<16xf32>
        %mul3A_416 = arith.constant 8.000000e+00 : f32
        %mul3A_417 = vector.broadcast %mul3A_416 : f32 to vector<16xf32>
        %mul3A_418 = arith.mulf %get3A_415, %mul3A_417 : vector<16xf32>
        %swap3A_419 = arith.index_cast %scan3A_387 : i32 to index
        %swap3A_420 = arith.constant 32 : index
        %swap3A_421 = tpu.vector_load %arg8[%swap3A_419, %swap3A_420] {strides = array<i32>} : memref<128x64xf32, #tpu.memory_space<vmem>>, vector<1x16xf32>,
        %swap3A_422 = vector.shape_cast %swap3A_421 : vector<1x16xf32> to vector<16xf32>
        %swap3A_423 = vector.shape_cast %mul3A_418 : vector<16xf32> to vector<1x16xf32>
        tpu.vector_store %arg8[%swap3A_419, %swap3A_420], %swap3A_423 {strides = array<i32>} : memref<128x64xf32, #tpu.memory_space<vmem>>, vector<1x16xf32>,
        %get3A_424 = arith.index_cast %scan3A_387 : i32 to index
        %get3A_425 = arith.constant 48 : index
        %get3A_426 = tpu.vector_load %arg8[%get3A_424, %get3A_425] {strides = array<i32>} : memref<128x64xf32, #tpu.memory_space<vmem>>, vector<1x16xf32>,
        %get3A_427 = vector.shape_cast %get3A_426 : vector<1x16xf32> to vector<16xf32>
        %mul3A_428 = arith.constant 8.000000e+00 : f32
        %mul3A_429 = vector.broadcast %mul3A_428 : f32 to vector<16xf32>
        %mul3A_430 = arith.mulf %get3A_427, %mul3A_429 : vector<16xf32>
        %swap3A_431 = arith.index_cast %scan3A_387 : i32 to index
        %swap3A_432 = arith.constant 48 : index
        %swap3A_433 = tpu.vector_load %arg8[%swap3A_431, %swap3A_432] {strides = array<i32>} : memref<128x64xf32, #tpu.memory_space<vmem>>, vector<1x16xf32>,
        %swap3A_434 = vector.shape_cast %swap3A_433 : vector<1x16xf32> to vector<16xf32>
        %swap3A_435 = vector.shape_cast %mul3A_430 : vector<16xf32> to vector<1x16xf32>
        tpu.vector_store %arg8[%swap3A_431, %swap3A_432], %swap3A_435 {strides = array<i32>} : memref<128x64xf32, #tpu.memory_space<vmem>>, vector<1x16xf32>,
        %scan3A_436 = arith.constant 0 : i32
        %scan3A_437 = arith.constant 3 : i32
        %scan3A_438 = arith.addi %scan3A_286, %scan3A_437 : i32
        %get3A_439 = arith.index_cast %scan3A_438 : i32 to index
        %get3A_440 = arith.constant 0 : index
        %get3A_441 = tpu.vector_load %arg8[%get3A_439, %get3A_440] {strides = array<i32>} : memref<128x64xf32, #tpu.memory_space<vmem>>, vector<1x16xf32>,
        %get3A_442 = vector.shape_cast %get3A_441 : vector<1x16xf32> to vector<16xf32>
        %mul3A_443 = arith.constant 8.000000e+00 : f32
        %mul3A_444 = vector.broadcast %mul3A_443 : f32 to vector<16xf32>
        %mul3A_445 = arith.mulf %get3A_442, %mul3A_444 : vector<16xf32>
        %swap3A_446 = arith.index_cast %scan3A_438 : i32 to index
        %swap3A_447 = arith.constant 0 : index
        %swap3A_448 = tpu.vector_load %arg8[%swap3A_446, %swap3A_447] {strides = array<i32>} : memref<128x64xf32, #tpu.memory_space<vmem>>, vector<1x16xf32>,
        %swap3A_449 = vector.shape_cast %swap3A_448 : vector<1x16xf32> to vector<16xf32>
        %swap3A_450 = vector.shape_cast %mul3A_445 : vector<16xf32> to vector<1x16xf32>
        tpu.vector_store %arg8[%swap3A_446, %swap3A_447], %swap3A_450 {strides = array<i32>} : memref<128x64xf32, #tpu.memory_space<vmem>>, vector<1x16xf32>,
        %get3A_451 = arith.index_cast %scan3A_438 : i32 to index
        %get3A_452 = arith.constant 16 : index
        %get3A_453 = tpu.vector_load %arg8[%get3A_451, %get3A_452] {strides = array<i32>} : memref<128x64xf32, #tpu.memory_space<vmem>>, vector<1x16xf32>,
        %get3A_454 = vector.shape_cast %get3A_453 : vector<1x16xf32> to vector<16xf32>
        %mul3A_455 = arith.constant 8.000000e+00 : f32
        %mul3A_456 = vector.broadcast %mul3A_455 : f32 to vector<16xf32>
        %mul3A_457 = arith.mulf %get3A_454, %mul3A_456 : vector<16xf32>
        %swap3A_458 = arith.index_cast %scan3A_438 : i32 to index
        %swap3A_459 = arith.constant 16 : index
        %swap3A_460 = tpu.vector_load %arg8[%swap3A_458, %swap3A_459] {strides = array<i32>} : memref<128x64xf32, #tpu.memory_space<vmem>>, vector<1x16xf32>,
        %swap3A_461 = vector.shape_cast %swap3A_460 : vector<1x16xf32> to vector<16xf32>
        %swap3A_462 = vector.shape_cast %mul3A_457 : vector<16xf32> to vector<1x16xf32>
        tpu.vector_store %arg8[%swap3A_458, %swap3A_459], %swap3A_462 {strides = array<i32>} : memref<128x64xf32, #tpu.memory_space<vmem>>, vector<1x16xf32>,
        %get3A_463 = arith.index_cast %scan3A_438 : i32 to index
        %get3A_464 = arith.constant 32 : index
        %get3A_465 = tpu.vector_load %arg8[%get3A_463, %get3A_464] {strides = array<i32>} : memref<128x64xf32, #tpu.memory_space<vmem>>, vector<1x16xf32>,
        %get3A_466 = vector.shape_cast %get3A_465 : vector<1x16xf32> to vector<16xf32>
        %mul3A_467 = arith.constant 8.000000e+00 : f32
        %mul3A_468 = vector.broadcast %mul3A_467 : f32 to vector<16xf32>
        %mul3A_469 = arith.mulf %get3A_466, %mul3A_468 : vector<16xf32>
        %swap3A_470 = arith.index_cast %scan3A_438 : i32 to index
        %swap3A_471 = arith.constant 32 : index
        %swap3A_472 = tpu.vector_load %arg8[%swap3A_470, %swap3A_471] {strides = array<i32>} : memref<128x64xf32, #tpu.memory_space<vmem>>, vector<1x16xf32>,
        %swap3A_473 = vector.shape_cast %swap3A_472 : vector<1x16xf32> to vector<16xf32>
        %swap3A_474 = vector.shape_cast %mul3A_469 : vector<16xf32> to vector<1x16xf32>
        tpu.vector_store %arg8[%swap3A_470, %swap3A_471], %swap3A_474 {strides = array<i32>} : memref<128x64xf32, #tpu.memory_space<vmem>>, vector<1x16xf32>,
        %get3A_475 = arith.index_cast %scan3A_438 : i32 to index
        %get3A_476 = arith.constant 48 : index
        %get3A_477 = tpu.vector_load %arg8[%get3A_475, %get3A_476] {strides = array<i32>} : memref<128x64xf32, #tpu.memory_space<vmem>>, vector<1x16xf32>,
        %get3A_478 = vector.shape_cast %get3A_477 : vector<1x16xf32> to vector<16xf32>
        %mul3A_479 = arith.constant 8.000000e+00 : f32
        %mul3A_480 = vector.broadcast %mul3A_479 : f32 to vector<16xf32>
        %mul3A_481 = arith.mulf %get3A_478, %mul3A_480 : vector<16xf32>
        %swap3A_482 = arith.index_cast %scan3A_438 : i32 to index
        %swap3A_483 = arith.constant 48 : index
        %swap3A_484 = tpu.vector_load %arg8[%swap3A_482, %swap3A_483] {strides = array<i32>} : memref<128x64xf32, #tpu.memory_space<vmem>>, vector<1x16xf32>,
        %swap3A_485 = vector.shape_cast %swap3A_484 : vector<1x16xf32> to vector<16xf32>
        %swap3A_486 = vector.shape_cast %mul3A_481 : vector<16xf32> to vector<1x16xf32>
        tpu.vector_store %arg8[%swap3A_482, %swap3A_483], %swap3A_486 {strides = array<i32>} : memref<128x64xf32, #tpu.memory_space<vmem>>, vector<1x16xf32>,
        %scan3A_487 = arith.constant 0 : i32
        scf.yield %scan3A_487 : i32
      }
      %scan3A_210 = arith.constant 128 : i32
      "tpu.region"() ({
        %run_scoped3A = tpu.sem_alloc : memref<!tpu.dma_semaphore, #tpu.memory_space<semaphore_mem>>
        %dma_start3A_286 = arith.constant 0 : i32
        %dma_start3A_287 = tpu.memref_slice %arg4[%mul3A_2, %add3A_157, %dma_start3A_286] : memref<4096x200x64xf32, #tpu.memory_space<hbm>> -> memref<128x1x64xf32, #tpu.memory_space<hbm>>
        %dma_start3A_288 = tpu.memref_squeeze %dma_start3A_287 : memref<128x1x64xf32, #tpu.memory_space<hbm>> -> memref<128x64xf32, #tpu.memory_space<hbm>>
        %dma_start3A_289 = arith.constant 0 : i32
        %dma_start3A_290 = tpu.memref_slice %arg4[%mul3A_2, %add3A_157, %dma_start3A_289] : memref<4096x200x64xf32, #tpu.memory_space<hbm>> -> memref<128x1x64xf32, #tpu.memory_space<hbm>>
        %dma_start3A_291 = tpu.memref_squeeze %dma_start3A_290 : memref<128x1x64xf32, #tpu.memory_space<hbm>> -> memref<128x64xf32, #tpu.memory_space<hbm>>
        tpu.enqueue_dma source(%arg8 : memref<128x64xf32, #tpu.memory_space<vmem>>) target(%dma_start3A_291 : memref<128x64xf32, #tpu.memory_space<hbm>>) target_semaphore(%run_scoped3A : memref<!tpu.dma_semaphore, #tpu.memory_space<semaphore_mem>>)
        %dma_wait3A_292 = arith.constant 0 : i32
        %dma_wait3A_293 = tpu.memref_slice %arg4[%mul3A_2, %add3A_157, %dma_wait3A_292] : memref<4096x200x64xf32, #tpu.memory_space<hbm>> -> memref<128x1x64xf32, #tpu.memory_space<hbm>>
        %dma_wait3A_294 = tpu.memref_squeeze %dma_wait3A_293 : memref<128x1x64xf32, #tpu.memory_space<hbm>> -> memref<128x64xf32, #tpu.memory_space<hbm>>
        %dma_wait3A_295 = arith.constant 0 : i32
        %dma_wait3A_296 = tpu.memref_slice %arg4[%mul3A_2, %add3A_157, %dma_wait3A_295] : memref<4096x200x64xf32, #tpu.memory_space<hbm>> -> memref<128x1x64xf32, #tpu.memory_space<hbm>>
        %dma_wait3A_297 = tpu.memref_squeeze %dma_wait3A_296 : memref<128x1x64xf32, #tpu.memory_space<hbm>> -> memref<128x64xf32, #tpu.memory_space<hbm>>
        tpu.wait_dma2 semaphore(%run_scoped3A : memref<!tpu.dma_semaphore, #tpu.memory_space<semaphore_mem>>) src(%arg8 : memref<128x64xf32, #tpu.memory_space<vmem>>) dst(%dma_wait3A_297 : memref<128x64xf32, #tpu.memory_space<hbm>>)
        tpu.yield
      }) : () -> ()
      %add3A_211 = arith.constant 4 : i32
      %add3A_212 = arith.addi %add3A_157, %add3A_211 : i32
      %sub3A_213 = arith.constant 1 : i32
      %sub3A_214 = arith.subi %add3A_212, %sub3A_213 : i32
      %lt3A_215 = arith.constant 200 : i32
      %lt3A_216 = arith.cmpi slt, %sub3A_214, %lt3A_215 : i32
      %convert_element_type3A_217 = arith.extui %lt3A_216 : i1 to i32
      %cond3A_218 = arith.constant 0 : i32
      %cond3A_219 = arith.cmpi ne, %convert_element_type3A_217, %cond3A_218 : i32
      scf.if %cond3A_219 {
        %add3A_286 = arith.constant 4 : i32
        %add3A_287 = arith.addi %add3A_157, %add3A_286 : i32
        %sub3A_288 = arith.constant 1 : i32
        %sub3A_289 = arith.subi %add3A_287, %sub3A_288 : i32
        %jit3A_290 = arith.constant 8 : i32
        %div3A_291 = arith.divsi %sub3A_289, %jit3A_290 : i32
        %sign3A_292 = arith.constant 0 : i32
        %sign3A_293 = arith.cmpi sgt, %sub3A_289, %sign3A_292 : i32
        %sign3A_294 = arith.extui %sign3A_293 : i1 to i32
        %sign3A_295 = arith.constant 0 : i32
        %sign3A_296 = arith.cmpi slt, %sub3A_289, %sign3A_295 : i32
        %sign3A_297 = arith.extui %sign3A_296 : i1 to i32
        %sign3A_298 = arith.subi %sign3A_294, %sign3A_297 : i32
        %sign3A_299 = arith.constant 0 : i32
        %sign3A_300 = arith.cmpi sgt, %jit3A_290, %sign3A_299 : i32
        %sign3A_301 = arith.extui %sign3A_300 : i1 to i32
        %sign3A_302 = arith.constant 0 : i32
        %sign3A_303 = arith.cmpi slt, %jit3A_290, %sign3A_302 : i32
        %sign3A_304 = arith.extui %sign3A_303 : i1 to i32
        %sign3A_305 = arith.subi %sign3A_301, %sign3A_304 : i32
        %ne3A_306 = arith.cmpi ne, %sign3A_298, %sign3A_305 : i32
        %rem3A_307 = arith.remsi %sub3A_289, %jit3A_290 : i32
        %ne3A_308 = arith.constant 0 : i32
        %ne3A_309 = arith.cmpi ne, %rem3A_307, %ne3A_308 : i32
        %and3A_310 = arith.andi %ne3A_306, %ne3A_309 : i1
        %sub3A_311 = arith.constant 1 : i32
        %sub3A_312 = arith.subi %div3A_291, %sub3A_311 : i32
        %select_n3A_313 = arith.select %and3A_310, %sub3A_312, %div3A_291 : i32
        %jit3A_314 = arith.constant 8 : i32
        %eq3A_315 = arith.constant 0 : i32
        %eq3A_316 = arith.cmpi eq, %jit3A_314, %eq3A_315 : i32
        %jit3A_317 = arith.constant 1 : i32
        %select_n3A_318 = arith.select %eq3A_316, %jit3A_317, %jit3A_314 : i32
        %rem3A_319 = arith.remsi %sub3A_289, %select_n3A_318 : i32
        %ne3A_320 = arith.constant 0 : i32
        %ne3A_321 = arith.cmpi ne, %rem3A_319, %ne3A_320 : i32
        %lt3A_322 = arith.constant 0 : i32
        %lt3A_323 = arith.cmpi slt, %rem3A_319, %lt3A_322 : i32
        %lt3A_324 = arith.constant 0 : i32
        %lt3A_325 = arith.cmpi slt, %select_n3A_318, %lt3A_324 : i32
        %ne3A_326 = arith.xori %lt3A_323, %lt3A_325 : i1
        %and3A_327 = arith.andi %ne3A_326, %ne3A_321 : i1
        %add3A_328 = arith.addi %rem3A_319, %select_n3A_318 : i32
        %select_n3A_329 = arith.select %and3A_327, %add3A_328, %rem3A_319 : i32
        %dma_start3A_330 = arith.constant 0 : i32
        %dma_start3A_331 = tpu.memref_slice %arg5[%select_n3A_313, %select_n3A_329, %dma_start3A_330] : memref<25x8x128xi32, #tpu.memory_space<vmem>> -> memref<1x1x128xi32, #tpu.memory_space<vmem>>
        %dma_start3A_332 = tpu.memref_squeeze %dma_start3A_331 : memref<1x1x128xi32, #tpu.memory_space<vmem>> -> memref<128xi32, #tpu.memory_space<vmem>>
        %dma_start3A_333 = arith.constant 0 : i32
        %dma_start3A_334 = arith.constant 0 : i32
        %dma_start3A_335 = tpu.memref_slice %arg3[%dma_start3A_333, %dma_start3A_334] : memref<1000000x64xf32, #tpu.memory_space<hbm>> -> memref<1000000x64xf32, #tpu.memory_space<hbm>>
        tpu.enqueue_indirect_dma source(%dma_start3A_335 : memref<1000000x64xf32, #tpu.memory_space<hbm>>) target(%arg7 : memref<128x64xf32, #tpu.memory_space<vmem>>) offsets(%dma_start3A_332 : memref<128xi32, #tpu.memory_space<vmem>>) semaphore(%arg11 : memref<!tpu.dma_semaphore, #tpu.memory_space<semaphore_mem>>)
      } else {
      }
      %mul3A_220 = arith.constant 4 : i32
      %mul3A_221 = arith.muli %add3A_34, %mul3A_220 : i32
      %add3A_222 = arith.constant 3 : i32
      %add3A_223 = arith.addi %mul3A_221, %add3A_222 : i32
      %jit3A_224 = arith.constant 8 : i32
      %div3A_225 = arith.divsi %add3A_223, %jit3A_224 : i32
      %sign3A_226 = arith.constant 0 : i32
      %sign3A_227 = arith.cmpi sgt, %add3A_223, %sign3A_226 : i32
      %sign3A_228 = arith.extui %sign3A_227 : i1 to i32
      %sign3A_229 = arith.constant 0 : i32
      %sign3A_230 = arith.cmpi slt, %add3A_223, %sign3A_229 : i32
      %sign3A_231 = arith.extui %sign3A_230 : i1 to i32
      %sign3A_232 = arith.subi %sign3A_228, %sign3A_231 : i32
      %sign3A_233 = arith.constant 0 : i32
      %sign3A_234 = arith.cmpi sgt, %jit3A_224, %sign3A_233 : i32
      %sign3A_235 = arith.extui %sign3A_234 : i1 to i32
      %sign3A_236 = arith.constant 0 : i32
      %sign3A_237 = arith.cmpi slt, %jit3A_224, %sign3A_236 : i32
      %sign3A_238 = arith.extui %sign3A_237 : i1 to i32
      %sign3A_239 = arith.subi %sign3A_235, %sign3A_238 : i32
      %ne3A_240 = arith.cmpi ne, %sign3A_232, %sign3A_239 : i32
      %rem3A_241 = arith.remsi %add3A_223, %jit3A_224 : i32
      %ne3A_242 = arith.constant 0 : i32
      %ne3A_243 = arith.cmpi ne, %rem3A_241, %ne3A_242 : i32
      %and3A_244 = arith.andi %ne3A_240, %ne3A_243 : i1
      %sub3A_245 = arith.constant 1 : i32
      %sub3A_246 = arith.subi %div3A_225, %sub3A_245 : i32
      %select_n3A_247 = arith.select %and3A_244, %sub3A_246, %div3A_225 : i32
      %jit3A_248 = arith.constant 8 : i32
      %eq3A_249 = arith.constant 0 : i32
      %eq3A_250 = arith.cmpi eq, %jit3A_248, %eq3A_249 : i32
      %jit3A_251 = arith.constant 1 : i32
      %select_n3A_252 = arith.select %eq3A_250, %jit3A_251, %jit3A_248 : i32
      %rem3A_253 = arith.remsi %add3A_223, %select_n3A_252 : i32
      %ne3A_254 = arith.constant 0 : i32
      %ne3A_255 = arith.cmpi ne, %rem3A_253, %ne3A_254 : i32
      %lt3A_256 = arith.constant 0 : i32
      %lt3A_257 = arith.cmpi slt, %rem3A_253, %lt3A_256 : i32
      %lt3A_258 = arith.constant 0 : i32
      %lt3A_259 = arith.cmpi slt, %select_n3A_252, %lt3A_258 : i32
      %ne3A_260 = arith.xori %lt3A_257, %lt3A_259 : i1
      %and3A_261 = arith.andi %ne3A_260, %ne3A_255 : i1
      %add3A_262 = arith.addi %rem3A_253, %select_n3A_252 : i32
      %select_n3A_263 = arith.select %and3A_261, %add3A_262, %rem3A_253 : i32
      %dma_wait3A_264 = arith.constant 0 : i32
      %dma_wait3A_265 = tpu.memref_slice %arg5[%select_n3A_247, %select_n3A_263, %dma_wait3A_264] : memref<25x8x128xi32, #tpu.memory_space<vmem>> -> memref<1x1x128xi32, #tpu.memory_space<vmem>>
      %dma_wait3A_266 = tpu.memref_squeeze %dma_wait3A_265 : memref<1x1x128xi32, #tpu.memory_space<vmem>> -> memref<128xi32, #tpu.memory_space<vmem>>
      %dma_wait3A_267 = arith.constant 0 : i32
      %dma_wait3A_268 = arith.constant 0 : i32
      %dma_wait3A_269 = tpu.memref_slice %arg3[%dma_wait3A_267, %dma_wait3A_268] : memref<1000000x64xf32, #tpu.memory_space<hbm>> -> memref<1000000x64xf32, #tpu.memory_space<hbm>>
      tpu.wait_indirect_dma semaphore(%arg13 : memref<!tpu.dma_semaphore, #tpu.memory_space<semaphore_mem>>) src(%dma_wait3A_269 : memref<1000000x64xf32, #tpu.memory_space<hbm>>) dst(%arg9 : memref<128x64xf32, #tpu.memory_space<vmem>>)
      %scan3A_270 = arith.constant 0 : i32
      %scan3A_271 = arith.constant 0 : i32
      %scan3A_272 = arith.constant 128 : i32
      %scan3A_273 = arith.addi %scan3A_271, %scan3A_272 : i32
      %scan3A_274 = arith.constant 4 : i32
      %scan3A_275 = scf.for %scan3A_286 = %scan3A_271 to %scan3A_273 step %scan3A_274 iter_args(%scan3A_287 = %scan3A_270) -> (i32)  : i32 {
        %get3A = arith.index_cast %scan3A_286 : i32 to index
        %get3A_288 = arith.constant 0 : index
        %get3A_289 = tpu.vector_load %arg9[%get3A, %get3A_288] {strides = array<i32>} : memref<128x64xf32, #tpu.memory_space<vmem>>, vector<1x16xf32>,
        %get3A_290 = vector.shape_cast %get3A_289 : vector<1x16xf32> to vector<16xf32>
        %mul3A_291 = arith.constant 8.000000e+00 : f32
        %mul3A_292 = vector.broadcast %mul3A_291 : f32 to vector<16xf32>
        %mul3A_293 = arith.mulf %get3A_290, %mul3A_292 : vector<16xf32>
        %swap3A = arith.index_cast %scan3A_286 : i32 to index
        %swap3A_294 = arith.constant 0 : index
        %swap3A_295 = tpu.vector_load %arg9[%swap3A, %swap3A_294] {strides = array<i32>} : memref<128x64xf32, #tpu.memory_space<vmem>>, vector<1x16xf32>,
        %swap3A_296 = vector.shape_cast %swap3A_295 : vector<1x16xf32> to vector<16xf32>
        %swap3A_297 = vector.shape_cast %mul3A_293 : vector<16xf32> to vector<1x16xf32>
        tpu.vector_store %arg9[%swap3A, %swap3A_294], %swap3A_297 {strides = array<i32>} : memref<128x64xf32, #tpu.memory_space<vmem>>, vector<1x16xf32>,
        %get3A_298 = arith.index_cast %scan3A_286 : i32 to index
        %get3A_299 = arith.constant 16 : index
        %get3A_300 = tpu.vector_load %arg9[%get3A_298, %get3A_299] {strides = array<i32>} : memref<128x64xf32, #tpu.memory_space<vmem>>, vector<1x16xf32>,
        %get3A_301 = vector.shape_cast %get3A_300 : vector<1x16xf32> to vector<16xf32>
        %mul3A_302 = arith.constant 8.000000e+00 : f32
        %mul3A_303 = vector.broadcast %mul3A_302 : f32 to vector<16xf32>
        %mul3A_304 = arith.mulf %get3A_301, %mul3A_303 : vector<16xf32>
        %swap3A_305 = arith.index_cast %scan3A_286 : i32 to index
        %swap3A_306 = arith.constant 16 : index
        %swap3A_307 = tpu.vector_load %arg9[%swap3A_305, %swap3A_306] {strides = array<i32>} : memref<128x64xf32, #tpu.memory_space<vmem>>, vector<1x16xf32>,
        %swap3A_308 = vector.shape_cast %swap3A_307 : vector<1x16xf32> to vector<16xf32>
        %swap3A_309 = vector.shape_cast %mul3A_304 : vector<16xf32> to vector<1x16xf32>
        tpu.vector_store %arg9[%swap3A_305, %swap3A_306], %swap3A_309 {strides = array<i32>} : memref<128x64xf32, #tpu.memory_space<vmem>>, vector<1x16xf32>,
        %get3A_310 = arith.index_cast %scan3A_286 : i32 to index
        %get3A_311 = arith.constant 32 : index
        %get3A_312 = tpu.vector_load %arg9[%get3A_310, %get3A_311] {strides = array<i32>} : memref<128x64xf32, #tpu.memory_space<vmem>>, vector<1x16xf32>,
        %get3A_313 = vector.shape_cast %get3A_312 : vector<1x16xf32> to vector<16xf32>
        %mul3A_314 = arith.constant 8.000000e+00 : f32
        %mul3A_315 = vector.broadcast %mul3A_314 : f32 to vector<16xf32>
        %mul3A_316 = arith.mulf %get3A_313, %mul3A_315 : vector<16xf32>
        %swap3A_317 = arith.index_cast %scan3A_286 : i32 to index
        %swap3A_318 = arith.constant 32 : index
        %swap3A_319 = tpu.vector_load %arg9[%swap3A_317, %swap3A_318] {strides = array<i32>} : memref<128x64xf32, #tpu.memory_space<vmem>>, vector<1x16xf32>,
        %swap3A_320 = vector.shape_cast %swap3A_319 : vector<1x16xf32> to vector<16xf32>
        %swap3A_321 = vector.shape_cast %mul3A_316 : vector<16xf32> to vector<1x16xf32>
        tpu.vector_store %arg9[%swap3A_317, %swap3A_318], %swap3A_321 {strides = array<i32>} : memref<128x64xf32, #tpu.memory_space<vmem>>, vector<1x16xf32>,
        %get3A_322 = arith.index_cast %scan3A_286 : i32 to index
        %get3A_323 = arith.constant 48 : index
        %get3A_324 = tpu.vector_load %arg9[%get3A_322, %get3A_323] {strides = array<i32>} : memref<128x64xf32, #tpu.memory_space<vmem>>, vector<1x16xf32>,
        %get3A_325 = vector.shape_cast %get3A_324 : vector<1x16xf32> to vector<16xf32>
        %mul3A_326 = arith.constant 8.000000e+00 : f32
        %mul3A_327 = vector.broadcast %mul3A_326 : f32 to vector<16xf32>
        %mul3A_328 = arith.mulf %get3A_325, %mul3A_327 : vector<16xf32>
        %swap3A_329 = arith.index_cast %scan3A_286 : i32 to index
        %swap3A_330 = arith.constant 48 : index
        %swap3A_331 = tpu.vector_load %arg9[%swap3A_329, %swap3A_330] {strides = array<i32>} : memref<128x64xf32, #tpu.memory_space<vmem>>, vector<1x16xf32>,
        %swap3A_332 = vector.shape_cast %swap3A_331 : vector<1x16xf32> to vector<16xf32>
        %swap3A_333 = vector.shape_cast %mul3A_328 : vector<16xf32> to vector<1x16xf32>
        tpu.vector_store %arg9[%swap3A_329, %swap3A_330], %swap3A_333 {strides = array<i32>} : memref<128x64xf32, #tpu.memory_space<vmem>>, vector<1x16xf32>,
        %scan3A_334 = arith.constant 0 : i32
        %scan3A_335 = arith.constant 1 : i32
        %scan3A_336 = arith.addi %scan3A_286, %scan3A_335 : i32
        %get3A_337 = arith.index_cast %scan3A_336 : i32 to index
        %get3A_338 = arith.constant 0 : index
        %get3A_339 = tpu.vector_load %arg9[%get3A_337, %get3A_338] {strides = array<i32>} : memref<128x64xf32, #tpu.memory_space<vmem>>, vector<1x16xf32>,
        %get3A_340 = vector.shape_cast %get3A_339 : vector<1x16xf32> to vector<16xf32>
        %mul3A_341 = arith.constant 8.000000e+00 : f32
        %mul3A_342 = vector.broadcast %mul3A_341 : f32 to vector<16xf32>
        %mul3A_343 = arith.mulf %get3A_340, %mul3A_342 : vector<16xf32>
        %swap3A_344 = arith.index_cast %scan3A_336 : i32 to index
        %swap3A_345 = arith.constant 0 : index
        %swap3A_346 = tpu.vector_load %arg9[%swap3A_344, %swap3A_345] {strides = array<i32>} : memref<128x64xf32, #tpu.memory_space<vmem>>, vector<1x16xf32>,
        %swap3A_347 = vector.shape_cast %swap3A_346 : vector<1x16xf32> to vector<16xf32>
        %swap3A_348 = vector.shape_cast %mul3A_343 : vector<16xf32> to vector<1x16xf32>
        tpu.vector_store %arg9[%swap3A_344, %swap3A_345], %swap3A_348 {strides = array<i32>} : memref<128x64xf32, #tpu.memory_space<vmem>>, vector<1x16xf32>,
        %get3A_349 = arith.index_cast %scan3A_336 : i32 to index
        %get3A_350 = arith.constant 16 : index
        %get3A_351 = tpu.vector_load %arg9[%get3A_349, %get3A_350] {strides = array<i32>} : memref<128x64xf32, #tpu.memory_space<vmem>>, vector<1x16xf32>,
        %get3A_352 = vector.shape_cast %get3A_351 : vector<1x16xf32> to vector<16xf32>
        %mul3A_353 = arith.constant 8.000000e+00 : f32
        %mul3A_354 = vector.broadcast %mul3A_353 : f32 to vector<16xf32>
        %mul3A_355 = arith.mulf %get3A_352, %mul3A_354 : vector<16xf32>
        %swap3A_356 = arith.index_cast %scan3A_336 : i32 to index
        %swap3A_357 = arith.constant 16 : index
        %swap3A_358 = tpu.vector_load %arg9[%swap3A_356, %swap3A_357] {strides = array<i32>} : memref<128x64xf32, #tpu.memory_space<vmem>>, vector<1x16xf32>,
        %swap3A_359 = vector.shape_cast %swap3A_358 : vector<1x16xf32> to vector<16xf32>
        %swap3A_360 = vector.shape_cast %mul3A_355 : vector<16xf32> to vector<1x16xf32>
        tpu.vector_store %arg9[%swap3A_356, %swap3A_357], %swap3A_360 {strides = array<i32>} : memref<128x64xf32, #tpu.memory_space<vmem>>, vector<1x16xf32>,
        %get3A_361 = arith.index_cast %scan3A_336 : i32 to index
        %get3A_362 = arith.constant 32 : index
        %get3A_363 = tpu.vector_load %arg9[%get3A_361, %get3A_362] {strides = array<i32>} : memref<128x64xf32, #tpu.memory_space<vmem>>, vector<1x16xf32>,
        %get3A_364 = vector.shape_cast %get3A_363 : vector<1x16xf32> to vector<16xf32>
        %mul3A_365 = arith.constant 8.000000e+00 : f32
        %mul3A_366 = vector.broadcast %mul3A_365 : f32 to vector<16xf32>
        %mul3A_367 = arith.mulf %get3A_364, %mul3A_366 : vector<16xf32>
        %swap3A_368 = arith.index_cast %scan3A_336 : i32 to index
        %swap3A_369 = arith.constant 32 : index
        %swap3A_370 = tpu.vector_load %arg9[%swap3A_368, %swap3A_369] {strides = array<i32>} : memref<128x64xf32, #tpu.memory_space<vmem>>, vector<1x16xf32>,
        %swap3A_371 = vector.shape_cast %swap3A_370 : vector<1x16xf32> to vector<16xf32>
        %swap3A_372 = vector.shape_cast %mul3A_367 : vector<16xf32> to vector<1x16xf32>
        tpu.vector_store %arg9[%swap3A_368, %swap3A_369], %swap3A_372 {strides = array<i32>} : memref<128x64xf32, #tpu.memory_space<vmem>>, vector<1x16xf32>,
        %get3A_373 = arith.index_cast %scan3A_336 : i32 to index
        %get3A_374 = arith.constant 48 : index
        %get3A_375 = tpu.vector_load %arg9[%get3A_373, %get3A_374] {strides = array<i32>} : memref<128x64xf32, #tpu.memory_space<vmem>>, vector<1x16xf32>,
        %get3A_376 = vector.shape_cast %get3A_375 : vector<1x16xf32> to vector<16xf32>
        %mul3A_377 = arith.constant 8.000000e+00 : f32
        %mul3A_378 = vector.broadcast %mul3A_377 : f32 to vector<16xf32>
        %mul3A_379 = arith.mulf %get3A_376, %mul3A_378 : vector<16xf32>
        %swap3A_380 = arith.index_cast %scan3A_336 : i32 to index
        %swap3A_381 = arith.constant 48 : index
        %swap3A_382 = tpu.vector_load %arg9[%swap3A_380, %swap3A_381] {strides = array<i32>} : memref<128x64xf32, #tpu.memory_space<vmem>>, vector<1x16xf32>,
        %swap3A_383 = vector.shape_cast %swap3A_382 : vector<1x16xf32> to vector<16xf32>
        %swap3A_384 = vector.shape_cast %mul3A_379 : vector<16xf32> to vector<1x16xf32>
        tpu.vector_store %arg9[%swap3A_380, %swap3A_381], %swap3A_384 {strides = array<i32>} : memref<128x64xf32, #tpu.memory_space<vmem>>, vector<1x16xf32>,
        %scan3A_385 = arith.constant 0 : i32
        %scan3A_386 = arith.constant 2 : i32
        %scan3A_387 = arith.addi %scan3A_286, %scan3A_386 : i32
        %get3A_388 = arith.index_cast %scan3A_387 : i32 to index
        %get3A_389 = arith.constant 0 : index
        %get3A_390 = tpu.vector_load %arg9[%get3A_388, %get3A_389] {strides = array<i32>} : memref<128x64xf32, #tpu.memory_space<vmem>>, vector<1x16xf32>,
        %get3A_391 = vector.shape_cast %get3A_390 : vector<1x16xf32> to vector<16xf32>
        %mul3A_392 = arith.constant 8.000000e+00 : f32
        %mul3A_393 = vector.broadcast %mul3A_392 : f32 to vector<16xf32>
        %mul3A_394 = arith.mulf %get3A_391, %mul3A_393 : vector<16xf32>
        %swap3A_395 = arith.index_cast %scan3A_387 : i32 to index
        %swap3A_396 = arith.constant 0 : index
        %swap3A_397 = tpu.vector_load %arg9[%swap3A_395, %swap3A_396] {strides = array<i32>} : memref<128x64xf32, #tpu.memory_space<vmem>>, vector<1x16xf32>,
        %swap3A_398 = vector.shape_cast %swap3A_397 : vector<1x16xf32> to vector<16xf32>
        %swap3A_399 = vector.shape_cast %mul3A_394 : vector<16xf32> to vector<1x16xf32>
        tpu.vector_store %arg9[%swap3A_395, %swap3A_396], %swap3A_399 {strides = array<i32>} : memref<128x64xf32, #tpu.memory_space<vmem>>, vector<1x16xf32>,
        %get3A_400 = arith.index_cast %scan3A_387 : i32 to index
        %get3A_401 = arith.constant 16 : index
        %get3A_402 = tpu.vector_load %arg9[%get3A_400, %get3A_401] {strides = array<i32>} : memref<128x64xf32, #tpu.memory_space<vmem>>, vector<1x16xf32>,
        %get3A_403 = vector.shape_cast %get3A_402 : vector<1x16xf32> to vector<16xf32>
        %mul3A_404 = arith.constant 8.000000e+00 : f32
        %mul3A_405 = vector.broadcast %mul3A_404 : f32 to vector<16xf32>
        %mul3A_406 = arith.mulf %get3A_403, %mul3A_405 : vector<16xf32>
        %swap3A_407 = arith.index_cast %scan3A_387 : i32 to index
        %swap3A_408 = arith.constant 16 : index
        %swap3A_409 = tpu.vector_load %arg9[%swap3A_407, %swap3A_408] {strides = array<i32>} : memref<128x64xf32, #tpu.memory_space<vmem>>, vector<1x16xf32>,
        %swap3A_410 = vector.shape_cast %swap3A_409 : vector<1x16xf32> to vector<16xf32>
        %swap3A_411 = vector.shape_cast %mul3A_406 : vector<16xf32> to vector<1x16xf32>
        tpu.vector_store %arg9[%swap3A_407, %swap3A_408], %swap3A_411 {strides = array<i32>} : memref<128x64xf32, #tpu.memory_space<vmem>>, vector<1x16xf32>,
        %get3A_412 = arith.index_cast %scan3A_387 : i32 to index
        %get3A_413 = arith.constant 32 : index
        %get3A_414 = tpu.vector_load %arg9[%get3A_412, %get3A_413] {strides = array<i32>} : memref<128x64xf32, #tpu.memory_space<vmem>>, vector<1x16xf32>,
        %get3A_415 = vector.shape_cast %get3A_414 : vector<1x16xf32> to vector<16xf32>
        %mul3A_416 = arith.constant 8.000000e+00 : f32
        %mul3A_417 = vector.broadcast %mul3A_416 : f32 to vector<16xf32>
        %mul3A_418 = arith.mulf %get3A_415, %mul3A_417 : vector<16xf32>
        %swap3A_419 = arith.index_cast %scan3A_387 : i32 to index
        %swap3A_420 = arith.constant 32 : index
        %swap3A_421 = tpu.vector_load %arg9[%swap3A_419, %swap3A_420] {strides = array<i32>} : memref<128x64xf32, #tpu.memory_space<vmem>>, vector<1x16xf32>,
        %swap3A_422 = vector.shape_cast %swap3A_421 : vector<1x16xf32> to vector<16xf32>
        %swap3A_423 = vector.shape_cast %mul3A_418 : vector<16xf32> to vector<1x16xf32>
        tpu.vector_store %arg9[%swap3A_419, %swap3A_420], %swap3A_423 {strides = array<i32>} : memref<128x64xf32, #tpu.memory_space<vmem>>, vector<1x16xf32>,
        %get3A_424 = arith.index_cast %scan3A_387 : i32 to index
        %get3A_425 = arith.constant 48 : index
        %get3A_426 = tpu.vector_load %arg9[%get3A_424, %get3A_425] {strides = array<i32>} : memref<128x64xf32, #tpu.memory_space<vmem>>, vector<1x16xf32>,
        %get3A_427 = vector.shape_cast %get3A_426 : vector<1x16xf32> to vector<16xf32>
        %mul3A_428 = arith.constant 8.000000e+00 : f32
        %mul3A_429 = vector.broadcast %mul3A_428 : f32 to vector<16xf32>
        %mul3A_430 = arith.mulf %get3A_427, %mul3A_429 : vector<16xf32>
        %swap3A_431 = arith.index_cast %scan3A_387 : i32 to index
        %swap3A_432 = arith.constant 48 : index
        %swap3A_433 = tpu.vector_load %arg9[%swap3A_431, %swap3A_432] {strides = array<i32>} : memref<128x64xf32, #tpu.memory_space<vmem>>, vector<1x16xf32>,
        %swap3A_434 = vector.shape_cast %swap3A_433 : vector<1x16xf32> to vector<16xf32>
        %swap3A_435 = vector.shape_cast %mul3A_430 : vector<16xf32> to vector<1x16xf32>
        tpu.vector_store %arg9[%swap3A_431, %swap3A_432], %swap3A_435 {strides = array<i32>} : memref<128x64xf32, #tpu.memory_space<vmem>>, vector<1x16xf32>,
        %scan3A_436 = arith.constant 0 : i32
        %scan3A_437 = arith.constant 3 : i32
        %scan3A_438 = arith.addi %scan3A_286, %scan3A_437 : i32
        %get3A_439 = arith.index_cast %scan3A_438 : i32 to index
        %get3A_440 = arith.constant 0 : index
        %get3A_441 = tpu.vector_load %arg9[%get3A_439, %get3A_440] {strides = array<i32>} : memref<128x64xf32, #tpu.memory_space<vmem>>, vector<1x16xf32>,
        %get3A_442 = vector.shape_cast %get3A_441 : vector<1x16xf32> to vector<16xf32>
        %mul3A_443 = arith.constant 8.000000e+00 : f32
        %mul3A_444 = vector.broadcast %mul3A_443 : f32 to vector<16xf32>
        %mul3A_445 = arith.mulf %get3A_442, %mul3A_444 : vector<16xf32>
        %swap3A_446 = arith.index_cast %scan3A_438 : i32 to index
        %swap3A_447 = arith.constant 0 : index
        %swap3A_448 = tpu.vector_load %arg9[%swap3A_446, %swap3A_447] {strides = array<i32>} : memref<128x64xf32, #tpu.memory_space<vmem>>, vector<1x16xf32>,
        %swap3A_449 = vector.shape_cast %swap3A_448 : vector<1x16xf32> to vector<16xf32>
        %swap3A_450 = vector.shape_cast %mul3A_445 : vector<16xf32> to vector<1x16xf32>
        tpu.vector_store %arg9[%swap3A_446, %swap3A_447], %swap3A_450 {strides = array<i32>} : memref<128x64xf32, #tpu.memory_space<vmem>>, vector<1x16xf32>,
        %get3A_451 = arith.index_cast %scan3A_438 : i32 to index
        %get3A_452 = arith.constant 16 : index
        %get3A_453 = tpu.vector_load %arg9[%get3A_451, %get3A_452] {strides = array<i32>} : memref<128x64xf32, #tpu.memory_space<vmem>>, vector<1x16xf32>,
        %get3A_454 = vector.shape_cast %get3A_453 : vector<1x16xf32> to vector<16xf32>
        %mul3A_455 = arith.constant 8.000000e+00 : f32
        %mul3A_456 = vector.broadcast %mul3A_455 : f32 to vector<16xf32>
        %mul3A_457 = arith.mulf %get3A_454, %mul3A_456 : vector<16xf32>
        %swap3A_458 = arith.index_cast %scan3A_438 : i32 to index
        %swap3A_459 = arith.constant 16 : index
        %swap3A_460 = tpu.vector_load %arg9[%swap3A_458, %swap3A_459] {strides = array<i32>} : memref<128x64xf32, #tpu.memory_space<vmem>>, vector<1x16xf32>,
        %swap3A_461 = vector.shape_cast %swap3A_460 : vector<1x16xf32> to vector<16xf32>
        %swap3A_462 = vector.shape_cast %mul3A_457 : vector<16xf32> to vector<1x16xf32>
        tpu.vector_store %arg9[%swap3A_458, %swap3A_459], %swap3A_462 {strides = array<i32>} : memref<128x64xf32, #tpu.memory_space<vmem>>, vector<1x16xf32>,
        %get3A_463 = arith.index_cast %scan3A_438 : i32 to index
        %get3A_464 = arith.constant 32 : index
        %get3A_465 = tpu.vector_load %arg9[%get3A_463, %get3A_464] {strides = array<i32>} : memref<128x64xf32, #tpu.memory_space<vmem>>, vector<1x16xf32>,
        %get3A_466 = vector.shape_cast %get3A_465 : vector<1x16xf32> to vector<16xf32>
        %mul3A_467 = arith.constant 8.000000e+00 : f32
        %mul3A_468 = vector.broadcast %mul3A_467 : f32 to vector<16xf32>
        %mul3A_469 = arith.mulf %get3A_466, %mul3A_468 : vector<16xf32>
        %swap3A_470 = arith.index_cast %scan3A_438 : i32 to index
        %swap3A_471 = arith.constant 32 : index
        %swap3A_472 = tpu.vector_load %arg9[%swap3A_470, %swap3A_471] {strides = array<i32>} : memref<128x64xf32, #tpu.memory_space<vmem>>, vector<1x16xf32>,
        %swap3A_473 = vector.shape_cast %swap3A_472 : vector<1x16xf32> to vector<16xf32>
        %swap3A_474 = vector.shape_cast %mul3A_469 : vector<16xf32> to vector<1x16xf32>
        tpu.vector_store %arg9[%swap3A_470, %swap3A_471], %swap3A_474 {strides = array<i32>} : memref<128x64xf32, #tpu.memory_space<vmem>>, vector<1x16xf32>,
        %get3A_475 = arith.index_cast %scan3A_438 : i32 to index
        %get3A_476 = arith.constant 48 : index
        %get3A_477 = tpu.vector_load %arg9[%get3A_475, %get3A_476] {strides = array<i32>} : memref<128x64xf32, #tpu.memory_space<vmem>>, vector<1x16xf32>,
        %get3A_478 = vector.shape_cast %get3A_477 : vector<1x16xf32> to vector<16xf32>
        %mul3A_479 = arith.constant 8.000000e+00 : f32
        %mul3A_480 = vector.broadcast %mul3A_479 : f32 to vector<16xf32>
        %mul3A_481 = arith.mulf %get3A_478, %mul3A_480 : vector<16xf32>
        %swap3A_482 = arith.index_cast %scan3A_438 : i32 to index
        %swap3A_483 = arith.constant 48 : index
        %swap3A_484 = tpu.vector_load %arg9[%swap3A_482, %swap3A_483] {strides = array<i32>} : memref<128x64xf32, #tpu.memory_space<vmem>>, vector<1x16xf32>,
        %swap3A_485 = vector.shape_cast %swap3A_484 : vector<1x16xf32> to vector<16xf32>
        %swap3A_486 = vector.shape_cast %mul3A_481 : vector<16xf32> to vector<1x16xf32>
        tpu.vector_store %arg9[%swap3A_482, %swap3A_483], %swap3A_486 {strides = array<i32>} : memref<128x64xf32, #tpu.memory_space<vmem>>, vector<1x16xf32>,
        %scan3A_487 = arith.constant 0 : i32
        scf.yield %scan3A_487 : i32
      }
      %scan3A_276 = arith.constant 128 : i32
      "tpu.region"() ({
        %run_scoped3A = tpu.sem_alloc : memref<!tpu.dma_semaphore, #tpu.memory_space<semaphore_mem>>
        %dma_start3A_286 = arith.constant 0 : i32
        %dma_start3A_287 = tpu.memref_slice %arg4[%mul3A_2, %add3A_223, %dma_start3A_286] : memref<4096x200x64xf32, #tpu.memory_space<hbm>> -> memref<128x1x64xf32, #tpu.memory_space<hbm>>
        %dma_start3A_288 = tpu.memref_squeeze %dma_start3A_287 : memref<128x1x64xf32, #tpu.memory_space<hbm>> -> memref<128x64xf32, #tpu.memory_space<hbm>>
        %dma_start3A_289 = arith.constant 0 : i32
        %dma_start3A_290 = tpu.memref_slice %arg4[%mul3A_2, %add3A_223, %dma_start3A_289] : memref<4096x200x64xf32, #tpu.memory_space<hbm>> -> memref<128x1x64xf32, #tpu.memory_space<hbm>>
        %dma_start3A_291 = tpu.memref_squeeze %dma_start3A_290 : memref<128x1x64xf32, #tpu.memory_space<hbm>> -> memref<128x64xf32, #tpu.memory_space<hbm>>
        tpu.enqueue_dma source(%arg9 : memref<128x64xf32, #tpu.memory_space<vmem>>) target(%dma_start3A_291 : memref<128x64xf32, #tpu.memory_space<hbm>>) target_semaphore(%run_scoped3A : memref<!tpu.dma_semaphore, #tpu.memory_space<semaphore_mem>>)
        %dma_wait3A_292 = arith.constant 0 : i32
        %dma_wait3A_293 = tpu.memref_slice %arg4[%mul3A_2, %add3A_223, %dma_wait3A_292] : memref<4096x200x64xf32, #tpu.memory_space<hbm>> -> memref<128x1x64xf32, #tpu.memory_space<hbm>>
        %dma_wait3A_294 = tpu.memref_squeeze %dma_wait3A_293 : memref<128x1x64xf32, #tpu.memory_space<hbm>> -> memref<128x64xf32, #tpu.memory_space<hbm>>
        %dma_wait3A_295 = arith.constant 0 : i32
        %dma_wait3A_296 = tpu.memref_slice %arg4[%mul3A_2, %add3A_223, %dma_wait3A_295] : memref<4096x200x64xf32, #tpu.memory_space<hbm>> -> memref<128x1x64xf32, #tpu.memory_space<hbm>>
        %dma_wait3A_297 = tpu.memref_squeeze %dma_wait3A_296 : memref<128x1x64xf32, #tpu.memory_space<hbm>> -> memref<128x64xf32, #tpu.memory_space<hbm>>
        tpu.wait_dma2 semaphore(%run_scoped3A : memref<!tpu.dma_semaphore, #tpu.memory_space<semaphore_mem>>) src(%arg9 : memref<128x64xf32, #tpu.memory_space<vmem>>) dst(%dma_wait3A_297 : memref<128x64xf32, #tpu.memory_space<hbm>>)
        tpu.yield
      }) : () -> ()
      %add3A_277 = arith.constant 4 : i32
      %add3A_278 = arith.addi %add3A_223, %add3A_277 : i32
      %sub3A_279 = arith.constant 1 : i32
      %sub3A_280 = arith.subi %add3A_278, %sub3A_279 : i32
      %lt3A_281 = arith.constant 200 : i32
      %lt3A_282 = arith.cmpi slt, %sub3A_280, %lt3A_281 : i32
      %convert_element_type3A_283 = arith.extui %lt3A_282 : i1 to i32
      %cond3A_284 = arith.constant 0 : i32
      %cond3A_285 = arith.cmpi ne, %convert_element_type3A_283, %cond3A_284 : i32
      scf.if %cond3A_285 {
        %add3A_286 = arith.constant 4 : i32
        %add3A_287 = arith.addi %add3A_223, %add3A_286 : i32
        %sub3A_288 = arith.constant 1 : i32
        %sub3A_289 = arith.subi %add3A_287, %sub3A_288 : i32
        %jit3A_290 = arith.constant 8 : i32
        %div3A_291 = arith.divsi %sub3A_289, %jit3A_290 : i32
        %sign3A_292 = arith.constant 0 : i32
        %sign3A_293 = arith.cmpi sgt, %sub3A_289, %sign3A_292 : i32
        %sign3A_294 = arith.extui %sign3A_293 : i1 to i32
        %sign3A_295 = arith.constant 0 : i32
        %sign3A_296 = arith.cmpi slt, %sub3A_289, %sign3A_295 : i32
        %sign3A_297 = arith.extui %sign3A_296 : i1 to i32
        %sign3A_298 = arith.subi %sign3A_294, %sign3A_297 : i32
        %sign3A_299 = arith.constant 0 : i32
        %sign3A_300 = arith.cmpi sgt, %jit3A_290, %sign3A_299 : i32
        %sign3A_301 = arith.extui %sign3A_300 : i1 to i32
        %sign3A_302 = arith.constant 0 : i32
        %sign3A_303 = arith.cmpi slt, %jit3A_290, %sign3A_302 : i32
        %sign3A_304 = arith.extui %sign3A_303 : i1 to i32
        %sign3A_305 = arith.subi %sign3A_301, %sign3A_304 : i32
        %ne3A_306 = arith.cmpi ne, %sign3A_298, %sign3A_305 : i32
        %rem3A_307 = arith.remsi %sub3A_289, %jit3A_290 : i32
        %ne3A_308 = arith.constant 0 : i32
        %ne3A_309 = arith.cmpi ne, %rem3A_307, %ne3A_308 : i32
        %and3A_310 = arith.andi %ne3A_306, %ne3A_309 : i1
        %sub3A_311 = arith.constant 1 : i32
        %sub3A_312 = arith.subi %div3A_291, %sub3A_311 : i32
        %select_n3A_313 = arith.select %and3A_310, %sub3A_312, %div3A_291 : i32
        %jit3A_314 = arith.constant 8 : i32
        %eq3A_315 = arith.constant 0 : i32
        %eq3A_316 = arith.cmpi eq, %jit3A_314, %eq3A_315 : i32
        %jit3A_317 = arith.constant 1 : i32
        %select_n3A_318 = arith.select %eq3A_316, %jit3A_317, %jit3A_314 : i32
        %rem3A_319 = arith.remsi %sub3A_289, %select_n3A_318 : i32
        %ne3A_320 = arith.constant 0 : i32
        %ne3A_321 = arith.cmpi ne, %rem3A_319, %ne3A_320 : i32
        %lt3A_322 = arith.constant 0 : i32
        %lt3A_323 = arith.cmpi slt, %rem3A_319, %lt3A_322 : i32
        %lt3A_324 = arith.constant 0 : i32
        %lt3A_325 = arith.cmpi slt, %select_n3A_318, %lt3A_324 : i32
        %ne3A_326 = arith.xori %lt3A_323, %lt3A_325 : i1
        %and3A_327 = arith.andi %ne3A_326, %ne3A_321 : i1
        %add3A_328 = arith.addi %rem3A_319, %select_n3A_318 : i32
        %select_n3A_329 = arith.select %and3A_327, %add3A_328, %rem3A_319 : i32
        %dma_start3A_330 = arith.constant 0 : i32
        %dma_start3A_331 = tpu.memref_slice %arg5[%select_n3A_313, %select_n3A_329, %dma_start3A_330] : memref<25x8x128xi32, #tpu.memory_space<vmem>> -> memref<1x1x128xi32, #tpu.memory_space<vmem>>
        %dma_start3A_332 = tpu.memref_squeeze %dma_start3A_331 : memref<1x1x128xi32, #tpu.memory_space<vmem>> -> memref<128xi32, #tpu.memory_space<vmem>>
        %dma_start3A_333 = arith.constant 0 : i32
        %dma_start3A_334 = arith.constant 0 : i32
        %dma_start3A_335 = tpu.memref_slice %arg3[%dma_start3A_333, %dma_start3A_334] : memref<1000000x64xf32, #tpu.memory_space<hbm>> -> memref<1000000x64xf32, #tpu.memory_space<hbm>>
        tpu.enqueue_indirect_dma source(%dma_start3A_335 : memref<1000000x64xf32, #tpu.memory_space<hbm>>) target(%arg8 : memref<128x64xf32, #tpu.memory_space<vmem>>) offsets(%dma_start3A_332 : memref<128xi32, #tpu.memory_space<vmem>>) semaphore(%arg12 : memref<!tpu.dma_semaphore, #tpu.memory_space<semaphore_mem>>)
      } else {
      }
    }
    %scan3A_29 = arith.constant 50 : i32
    return
  }
}

</mosaic_0001>

<sc_bundles>
// kernel: _emb_call.3.cloned.1.call-start
scs
__scs_entry_jumppad:
0x0: {  	(pc) =	sbr.rel $0x88, $3  }
0x1: {  	(tag) =	ssettag $0x0;
	lr =	simm.s32 $0x1  }
0x2: {  	[smem:$0x3F9F] =	sst lr;
	_ =	strace $0xD0000000  }
0x3: {  	_ = 	snop  }
0x4: {  	_ = 	snop  }
0x5: {  	_ = 	snop  }
0x6: {  	_ = 	snop  }
0x7: {  	_ = 	snop  }
__scs_overlays_trampoline_lowered:
0x8: {  	[smem:$0x3FAE] =	sst s0  }
0x9: {  	[smem:$0x3FAF] =	sst s1  }
0xa: {  	[smem:$0x3FB0] =	sst s2  }
0xb: {  	[smem:$0x3FB1] =	sst s3  }
0xc: {  	[smem:$0x3FB2] =	sst s4  }
0xd: {  	[smem:$0x3FB3] =	sst s5  }
0xe: {  	[smem:$0x3FB4] =	sst s6  }
0xf: {  	[smem:$0x3FB5] =	sst s7  }
0x10: {  	[smem:$0x3FB6] =	sst s8  }
0x11: {  	[smem:$0x3FB7] =	sst s9;
	s0 =	simm.s32 @!p0 $0x0  }
0x12: {  	s1 =	sld [smem:$0x3F9D];
	s0 =	simm.s32 @p0 $0x1  }
0x13: {  	[smem:$0x3FB8] =	sst s0;
	s0 =	simm.s32 @!p1 $0x0  }
0x14: {  	s2 =	sld [smem:$0x3F9C];
	s0 =	simm.s32 @p1 $0x1  }
0x15: {  	[smem:$0x3FB9] =	sst s0;
	s0 =	simm.s32 @!p2 $0x0  }
0x16: {  	s3 =	sld [smem:$0x3FDB];
	s0 =	simm.s32 @p2 $0x1  }
0x17: {  	s4 =	simm.s32 $0x1BF5;
	[smem:$0x3FBB] =	sst s0  }
0x18: {  	s0 =	sld [smem:$0x3F9E];
	_ =	swait.ge [sflag:s4], $0x0  }
0x19: {  	s7 =	sld [smem:$0x3F9F]  }
0x1a: {  	s8 =	sadd.s32 $0xFFFFE003, lr  }
0x1b: {  	s9 =	sadd.s32 $0xFFFFFEF7, lr;
	s5 =	simm.s32 $0xFFFFFFFF;
	p2 =	slt.u32 s8, $0xFFFFF086  }
0x1c: {  	p1 =	slt.u32 s9, $0xF7A;
	s5 =	simm.s32 @!p2 $0x0  }
0x1d: {  	s5 =	simm.s32 @p1 $0x1;
	p0 =	seq.s32 s7, s2  }
0x1e: {  	s7 =	smul.u32 @!p0 $0xF7A, s2;
	p2 =	seq.s32 @!p0 s5, $0x0  }
0x1f: {  	s9 =	smul.u32 $0xF7A, s1;
	s8 =	simm.s32 @!p0 $0x1BF5;
	p2 =	por !p2, p0  }
0x20: {  	[sflag:s8] =	ssyncset.s32 @!p0 $0xFFFFF086;
	s6 =	sadd.s32 @!p0 s3, s7;
	s7 =	simm.s32 @!p0 $0x108  }
0x21: {  	s3 =	sadd.s32 s3, s9;
	s6 =	sadd.s32 @!p0 $0x88, s6;
	s7 =	simm.s32 @p2 $0x1082  }
0x22: {  	[simem:s7], [sflag:s8] =	dma.local @!p0 [hbm:s6], $0xF7A  }
0x23: {  	s9 =	sor.u32 $0xD0000000, s2;
	s6 =	simm.s32 $0x108;
	_ =	swait.ge @!p0 [sflag:s8], $0x0  }
0x24: {  	s3 =	sadd.s32 $0x88, s3;
	s6 =	simm.s32 @!p1 $0x1082;
	[sflag:s4] =	ssyncset.s32 $0xFFFFF086  }
0x25: {  	[simem:s6], [sflag:s4] =	dma.local [hbm:s3], $0xF7A  }
0x26: {  	[smem:$0x3F9F] =	sst s1;
	(tag) =	ssettag s2;
	_ =	strace s9  }
0x27: {  	s1 =	sld [smem:$0x3FAF]  }
0x28: {  	s2 =	sld [smem:$0x3FB0]  }
0x29: {  	s4 =	sld [smem:$0x3FB2]  }
0x2a: {  	p0 =	seq.s32 s5, $0x0;
	s5 =	sld [smem:$0x3FB3]  }
0x2b: {  	s6 =	sld [smem:$0x3FB4]  }
0x2c: {  	s7 =	sld [smem:$0x3FB5]  }
0x2d: {  	s3 =	simm.s32 $0x108;
	s8 =	sld [smem:$0x3FB6]  }
0x2e: {  	s3 =	simm.s32 @!p0 $0x1082;
	s9 =	sld [smem:$0x3FB7]  }
0x2f: {  	lr =	sadd.s32 s0, s3;
	s0 =	sld [smem:$0x3FAE]  }
0x30: {  	s3 =	sld [smem:$0x3FB1]  }
0x31: {  	[smem:$0x3FBA] =	sst s10  }
0x32: {  	s10 =	sld [smem:$0x3FB8];
	_ =	sdelay $0x3  }
0x33: {  	p0 =	seq.s32 s10, $0x1;
	s10 =	sld [smem:$0x3FBA];
	_ =	sdelay $0x3  }
0x34: {  	[smem:$0x3FBA] =	sst s10  }
0x35: {  	s10 =	sld [smem:$0x3FB9];
	_ =	sdelay $0x3  }
0x36: {  	p1 =	seq.s32 s10, $0x1;
	s10 =	sld [smem:$0x3FBA];
	_ =	sdelay $0x3  }
0x37: {  	[smem:$0x3FBA] =	sst s10  }
0x38: {  	s10 =	sld [smem:$0x3FBB]  }
0x39: {  	_ = 	snop;
	(pc) =	sbr.ind lr, $3  }
0x3a: {  	_ = 	snop  }
0x3b: {  	_ = 	snop  }
0x3c: {  	p2 =	seq.s32 s10, $0x1;
	s10 =	sld [smem:$0x3FBA]  }
0x3d: {  	_ =	shalt  }
0x3e: {  	_ =	shalt  }
0x3f: {  	_ =	shalt  }
0x40: {  	_ =	shalt  }
0x41: {  	_ =	shalt  }
0x42: {  	_ =	shalt  }
0x43: {  	_ =	shalt  }
0x44: {  	_ =	shalt  }
0x45: {  	_ =	shalt  }
0x46: {  	_ =	shalt  }
0x47: {  	_ =	shalt  }
0x48: {  	_ =	shalt  }
0x49: {  	_ =	shalt  }
0x4a: {  	_ =	shalt  }
0x4b: {  	_ =	shalt  }
0x4c: {  	_ =	shalt  }
0x4d: {  	_ =	shalt  }
0x4e: {  	_ =	shalt  }
0x4f: {  	_ =	shalt  }
0x50: {  	_ =	shalt  }
0x51: {  	_ =	shalt  }
0x52: {  	_ =	shalt  }
0x53: {  	_ =	shalt  }
0x54: {  	_ =	shalt  }
0x55: {  	_ =	shalt  }
0x56: {  	_ =	shalt  }
0x57: {  	_ =	shalt  }
0x58: {  	_ =	shalt  }
0x59: {  	_ =	shalt  }
0x5a: {  	_ =	shalt  }
0x5b: {  	_ =	shalt  }
0x5c: {  	_ =	shalt  }
0x5d: {  	_ =	shalt  }
0x5e: {  	_ =	shalt  }
0x5f: {  	_ =	shalt  }
0x60: {  	_ =	shalt  }
0x61: {  	_ =	shalt  }
0x62: {  	_ =	shalt  }
0x63: {  	_ =	shalt  }
0x64: {  	_ =	shalt  }
0x65: {  	_ =	shalt  }
0x66: {  	_ =	shalt  }
0x67: {  	_ =	shalt  }
0x68: {  	_ =	shalt  }
0x69: {  	_ =	shalt  }
0x6a: {  	_ =	shalt  }
0x6b: {  	_ =	shalt  }
0x6c: {  	_ =	shalt  }
0x6d: {  	_ =	shalt  }
0x6e: {  	_ =	shalt  }
0x6f: {  	_ =	shalt  }
0x70: {  	_ =	shalt  }
0x71: {  	_ =	shalt  }
0x72: {  	_ =	shalt  }
0x73: {  	_ =	shalt  }
0x74: {  	_ =	shalt  }
0x75: {  	_ =	shalt  }
0x76: {  	_ =	shalt  }
0x77: {  	_ =	shalt  }
0x78: {  	_ =	shalt  }
0x79: {  	_ =	shalt  }
0x7a: {  	_ =	shalt  }
0x7b: {  	_ =	shalt  }
0x7c: {  	_ =	shalt  }
0x7d: {  	_ =	shalt  }
0x7e: {  	_ =	shalt  }
0x7f: {  	_ =	shalt  }
0x80: {  	_ =	shalt  }
0x81: {  	_ =	shalt  }
0x82: {  	_ =	shalt  }
0x83: {  	_ =	shalt  }
0x84: {  	_ =	shalt  }
0x85: {  	_ =	shalt  }
0x86: {  	_ =	shalt  }
0x87: {  	_ =	shalt  }
.Lfunc_end0:
.L_simem_size_0:
called_computation.1_lowered:
.L_overlay_start_0:
0x88: {  	s2 =	sld [smem:$0x3FD9]  }
0x89: {  	s3 =	sld [smem:$0x3FFE];
	_ =	sdelay $0x1  }
0x8a: {  	s1 =	srdreg.scid  }
0x8b: {  	s0 =	sand.u32 $0x1, s1  }
0x8c: {  	s17 =	sshll.u32 s0, $0xA;
	s2 =	sadd.s32 s3, s2  }
0x8d: {  	s2 =	sadd.s32 s2, s17  }
0x8e: {  	[smem:$0x3FC6] =	sst s2  }
0x8f: {  	_ = 	snop  }
0x90: {  	s2 =	sld [smem:$0x3FC9]  }
0x91: {  	s18 =	sld [smem:$0x3FD0];
	(tm) =	ssettm $0x1  }
0x92: {  	s4 =	sld [smem:$0x3FFB];
	_ =	sdelay $0x3  }
0x93: {  	_ =	strace s4  }
0x94: {  	s4 =	sld [smem:$0x3FFC];
	_ =	sdelay $0x3  }
0x95: {  	_ =	strace s4  }
0x96: {  	s4 =	sld [smem:$0x3FFD];
	_ =	sdelay $0x3  }
0x97: {  	_ =	strace s4  }
0x98: {  	_ =	strace $0x8FFFFFFF  }
0x99: {  	s19 =	sld [smem:$0x3FDB];
	_ =	sdelay $0x1  }
0x9a: {  	s5 =	simm.s32 $_scs_section_size  }
0x9b: {  	s6 =	simm.s32 $_size__tile_overlayer_lowered;
	s7 =	simm.s32 $_tile_overlayer_lowered  }
0x9c: {  	s22 =	simm.s32 $0x1BFF;
	s21 =	sshll.u32 s7, $0x1;
	s4 =	sadd.s32 s5, s19  }
0x9d: {  	s8 =	simm.s32 $0x0;
	s20 =	sshll.u32 s6, $0x1;
	s6 =	sadd.s32 s21, s4  }
0x9e: {  	[timem:s8], [sflag:s22] =	dma.local [hbm:s6], s20  }
0x9f: {  	_ =	swait.ge [sflag:s22], s20  }
0xa0: {  	s5 =	ssub.s32 $0x0, s20;
	[sflag:s22] =	ssyncset.done $0x0  }
0xa1: {  	[sflag:s22] =	ssyncadd.s32 s5;
	_ =	sdelay $0x1  }
0xa2: {  	s23 =	simm.s32 $0x1B8B  }
0xa3: {  	_ =	swait.ge [sflag:s23], $0x1  }
0xa4: {  	[sflag:s23] =	ssyncset.done $0x0  }
0xa5: {  	s25 =	simm.s32 $0x1B8E;
	s24 =	sld [smem:$0x3FFE];
	[sflag:s23] =	ssyncadd.s32 $0xFFFFFFFF  }
0xa6: {  	s26 =	simm.s32 $execute0_lowered;
	[smem:$0x3FD2] =	sst s25  }
0xa7: {  	s6 =	sshll.u32 s26, $0x1;
	_ =	strace $0x80000046;
	[dreg:$0x1] =	wrdreg $0xFFFFFFFF  }
0xa8: {  	s28 =	simm.s32 $_size_execute0_lowered;
	s4 =	sadd.s32 s4, s6;
	[dreg:$0x0] =	wrdreg $0x0  }
0xa9: {  	s6 =	sshll.u32 s28, $0x1;
	[dreg:$0x2] =	wrdreg s4  }
0xaa: {  	[dreg:$0x3] =	wrdreg s6  }
0xab: {  	[dreg:$0x4] =	wrdreg $0xC0  }
0xac: {  	_ =	task [dreg:s8], $0x5FFFF  }
0xad: {  	[dreg:$0x1] =	wrdreg $0xFFFFFFFF  }
0xae: {  	[dreg:$0x0] =	wrdreg $0x60  }
0xaf: {  	[dreg:$0x2] =	wrdreg s2  }
0xb0: {  	[dreg:$0x3] =	wrdreg s24  }
0xb1: {  	[dreg:$0x4] =	wrdreg s18  }
0xb2: {  	[dreg:$0x5] =	wrdreg $0x9  }
0xb3: {  	_ =	task.clear_ibuf [dreg:s8], $0x6FFFF;
	_ =	strace $0x90000046  }
0xb4: {  	s29 =	simm.s32 $0x9;
	_ =	strace $0x80000048  }
0xb5: {  	_ =	swait.ge [sflag:s29], $0x1  }
0xb6: {  	[sflag:s29] =	ssyncadd.s32 $0xFFFFFFFF  }
0xb7: {  	_ =	strace $0x90000048  }
0xb8: {  	_ =	sfence  }
0xb9: {  	s30 =	sld [smem:$0x0];
	_ =	sdelay $0x2  }
0xba: {  	s31 =	sshll.u32 s1, $0xD;
	s1 =	sshrl.u32 s1, $0x2  }
0xbb: {  	s3 =	sand.u32 $0x4000, s31;
	s1 =	sadd.s32 s1, s30  }
0xbc: {  	s0 =	sor.u32 s3, s0;
	s1 =	sshll.u32 s1, $0x11  }
0xbd: {  	s0 =	sor.u32 s1, s0  }
0xbe: {  	s0 =	sadd.s32 $0x8F2B, s0  }
0xbf: {  	[sflag:s0] =	ssyncadd.remote.s32 $0x1  }
0xc0: {  	_ =	sfence.sel $0xFFFF  }
0xc1: {  	[dreg:$0x0] =	wrdreg $0xFFFFFFFF;
	(pc) =	sbr.abs _section_cstart, $3  }
0xc2: {  	[dreg:$0x1] =	wrdreg $0xFFFFFFFF  }
0xc3: {  	_ =	task.clear_ibuf [dreg:s8], $0x2FFFF;
	_ =	strace $0x9FFFFFFF  }
0xc4: {  	(tm) =	ssettm $0x7FFFFFFF  }
0xc5: {  	_ =	shalt  }
tec
execute0_lowered:
.L_overlay_start_1:
0x0: {  	(tag) =	ssettag $0x1  }
0x1: {  	s0 =	rddreg [dreg:$0x0]  }
0x2: {  	s1 =	rddreg [dreg:$0x1]  }
0x3: {  	s2 =	rddreg [dreg:$0x2];
	s4 =	srdreg.scid  }
0x4: {  	s5 =	stileid.u32;
	s3 =	simm.s32 $0x0;
	s11 =	simm.s32 $0x8000  }
0x5: {  	s12 =	simm.s32 $0x5;
	s13 =	simm.s32 $0x80;
	s14 =	simm.s32 $0x6400  }
0x6: {  	s15 =	simm.s32 $0x8400;
	s16 =	simm.s32 $0x100;
	s17 =	simm.s32 $0xA400  }
0x7: {  	s18 =	simm.s32 $0x1;
	s19 =	simm.s32 $0x40;
	s20 =	simm.s32 $0x3200  }
0x8: {  	s21 =	simm.s32 $0xC400;
	s22 =	simm.s32 $0x2;
	s23 =	simm.s32 $0x3  }
0x9: {  	s24 =	simm.s32 $0x4;
	s25 =	simm.s32 $0x0;
	s4 =	sand.u32 $0x1, s4  }
.Ltmp0:
0xa: {  	s5 =	sshll.u32 s5, $0x1;
	[smem:$0x7FF] =	sst s3;
	(pc) =	sbr.rel .LBB2_1-.Ltmp0, $4  }
0xb: {  	s6 =	sor.u32 s4, s5;
	_ =	strace $0x80000047;
	s7 =	ssub.s32 $0x2, s4  }
0xc: {  	s4 =	smul.u32 $0x190000, s6;
	s31 =	sshrl.u32 s7, $0x1;
	s6 =	sshll.u32 s6, $0x7  }
0xd: {  	s5 =	sadd.s32 $0xF42C00, s1;
	s1 =	ssub.s32 s7, s31;
	s6 =	sadd.s32 s0, s6  }
0xe: {  	s7 =	sor.u32 $0x40, s4;
	s8 =	sor.u32 $0x80, s4;
	s9 =	smax.u32 s1, $0x1  }
.LBB2_12:
0xf: {  	s25 =	sadd.s32 $0x1, s25  }
0x10: {  	p0 =	sne.s32 s25, s9  }
.Ltmp1:
0x11: {  	_ = 	snop;
	(pc) =	sbr.rel @!p0 .LBB2_13-.Ltmp1, $1  }
0x12: {  	_ =	sdelay $0x3  }
.LBB2_1:
0x13: {  	s0 =	simm.s32 $0x400  }
0x14: {  	[tilespmem:s3], [sflag:$0x5] =	stream.strided.gather [hbm4b:s6+s0], $0x6400, s11, s0, $0x38;
	[tilespmem:$0xE400] =	vst v63  }
0x15: {  	_ =	swait.ge [sflag:s12], $0x6400  }
0x16: {  	[sflag:s12] =	ssyncset.done $0x0  }
0x17: {  	[sflag:s12] =	ssyncadd.s32 $0xFFFF9C00  }
0x18: {  	[tilespmem:s14], [sflag:$0x1] =	stream.indirect.gather [hbm4b:s5+s13], $0x40, s3, s13, $0xb8;
	[tilespmem:$0xE400] =	vst v63  }
0x19: {  	_ = 	snop  }
0x1a: {  	[tilespmem:s15], [sflag:$0x2] =	stream.indirect.gather [hbm4b:s5+s13], $0x40, s13, s13, $0xb8;
	[tilespmem:$0xE400] =	vst v63  }
0x1b: {  	s26 =	simm.s32 $0x0  }
0x1c: {  	[tilespmem:s17], [sflag:$0x3] =	stream.indirect.gather [hbm4b:s5+s13], $0x40, s16, s13, $0xb8;
	[tilespmem:$0xE400] =	vst v63  }
.LBB2_2:
0x1d: {  	_ =	swait.ge [sflag:s18], $0x2000  }
0x1e: {  	[sflag:s18] =	ssyncset.done $0x0  }
0x1f: {  	s28 =	simm.s32 $0x6480;
	[sflag:s18] =	ssyncadd.s32 $0xFFFFE000  }
0x20: {  	v0 =	vld [tilespmem:s28+$0xFFFFFF80]  }
0x21: {  	v1 =	vld [tilespmem:s28+$0xFFFFFF90]  }
0x22: {  	v2 =	vld [tilespmem:s28+$0xFFFFFFA0]  }
0x23: {  	v3 =	vld [tilespmem:s28+$0xFFFFFFB0]  }
0x24: {  	v4 =	vld [tilespmem:s28+$0xFFFFFFC0]  }
0x25: {  	v5 =	vld [tilespmem:s28+$0xFFFFFFD0];
	v0 =	vmul.f32 $8.000000000e+00, v0  }
0x26: {  	v6 =	vld [tilespmem:s28+$0xFFFFFFE0];
	v1 =	vmul.f32 $8.000000000e+00, v1  }
0x27: {  	[tilespmem:s28+$0xFFFFFF80] =	vst v0;
	v0 =	vmul.f32 $8.000000000e+00, v2;
	v2 =	vld [tilespmem:s28+$0x0]  }
0x28: {  	[tilespmem:s28+$0xFFFFFF90] =	vst v1;
	v1 =	vmul.f32 $8.000000000e+00, v3;
	v3 =	vld [tilespmem:s28+$0x10]  }
0x29: {  	[tilespmem:s28+$0xFFFFFFA0] =	vst v0;
	v0 =	vmul.f32 $8.000000000e+00, v4;
	v4 =	vld [tilespmem:s28+$0x20]  }
0x2a: {  	v7 =	vld [tilespmem:s28+$0x30];
	[tilespmem:s28+$0xFFFFFFB0] =	vst v1;
	v1 =	vmul.f32 $8.000000000e+00, v5  }
0x2b: {  	v5 =	vmul.f32 $8.000000000e+00, v6;
	[tilespmem:s28+$0xFFFFFFC0] =	vst v0;
	v0 =	vld [tilespmem:s28+$0x40]  }
0x2c: {  	[tilespmem:s28+$0xFFFFFFD0] =	vst v1;
	v1 =	vmul.f32 $8.000000000e+00, v2;
	v2 =	vld [tilespmem:s28+$0x50]  }
0x2d: {  	[tilespmem:s28+$0xFFFFFFE0] =	vst v5;
	v6 =	vmul.f32 $8.000000000e+00, v3;
	v3 =	vld [tilespmem:s28+$0x60]  }
0x2e: {  	[tilespmem:s28+$0x0] =	vst v1;
	v5 =	vmul.f32 $8.000000000e+00, v4;
	v4 =	vld [tilespmem:s28+$0x70]  }
0x2f: {  	s0 =	simm.s32 $0x0;
	s1 =	simm.s32 $0x6580;
	v1 =	vld [tilespmem:s28+$0xFFFFFFF0];
	[tilespmem:s28+$0x10] =	vst v6;
	v6 =	vmul.f32 $8.000000000e+00, v7  }
.LBB2_3:
0x30: {  	v7 =	vld [tilespmem:s1+$0xFFFFFF80];
	[tilespmem:s28+$0x20] =	vst v5;
	v0 =	vmul.f32 $8.000000000e+00, v0  }
0x31: {  	v5 =	vld [tilespmem:s1+$0xFFFFFF90];
	[tilespmem:s28+$0x30] =	vst v6;
	v2 =	vmul.f32 $8.000000000e+00, v2  }
0x32: {  	v6 =	vld [tilespmem:s1+$0xFFFFFFA0];
	[tilespmem:s28+$0x40] =	vst v0;
	v0 =	vmul.f32 $8.000000000e+00, v3  }
0x33: {  	v3 =	vld [tilespmem:s1+$0xFFFFFFB0];
	[tilespmem:s28+$0x50] =	vst v2;
	v2 =	vmul.f32 $8.000000000e+00, v4  }
0x34: {  	v4 =	vld [tilespmem:s1+$0xFFFFFFC0];
	v1 =	vmul.f32 $8.000000000e+00, v1;
	[tilespmem:s28+$0x60] =	vst v0  }
0x35: {  	v0 =	vmul.f32 $8.000000000e+00, v7;
	v7 =	vld [tilespmem:s1+$0xFFFFFFD0];
	[tilespmem:s28+$0x70] =	vst v2  }
0x36: {  	v2 =	vmul.f32 $8.000000000e+00, v5;
	v5 =	vld [tilespmem:s1+$0xFFFFFFE0];
	[tilespmem:s28+$0xFFFFFFF0] =	vst v1;
	s28 =	smov.u32 s1  }
0x37: {  	[tilespmem:s1+$0xFFFFFF80] =	vst v0;
	v0 =	vmul.f32 $8.000000000e+00, v6;
	v1 =	vld [tilespmem:s1+$0x0]  }
0x38: {  	[tilespmem:s1+$0xFFFFFF90] =	vst v2;
	v2 =	vmul.f32 $8.000000000e+00, v3;
	v3 =	vld [tilespmem:s1+$0x10]  }
0x39: {  	s0 =	sadd.s32 $0x4, s0;
	[tilespmem:s1+$0xFFFFFFA0] =	vst v0;
	v0 =	vmul.f32 $8.000000000e+00, v4;
	v4 =	vld [tilespmem:s1+$0x20]  }
0x3a: {  	p0 =	slt.u32 s0, $0x7C;
	[tilespmem:s1+$0xFFFFFFB0] =	vst v2;
	v2 =	vmul.f32 $8.000000000e+00, v7;
	v6 =	vld [tilespmem:s1+$0x30]  }
.Ltmp2:
0x3b: {  	[tilespmem:s1+$0xFFFFFFC0] =	vst v0;
	v5 =	vmul.f32 $8.000000000e+00, v5;
	v0 =	vld [tilespmem:s1+$0x40];
	(pc) =	sbr.rel @p0 .LBB2_3-.Ltmp2, $4  }
0x3c: {  	[tilespmem:s1+$0xFFFFFFD0] =	vst v2;
	v1 =	vmul.f32 $8.000000000e+00, v1;
	v2 =	vld [tilespmem:s1+$0x50]  }
0x3d: {  	[tilespmem:s1+$0xFFFFFFE0] =	vst v5;
	v7 =	vmul.f32 $8.000000000e+00, v3;
	v3 =	vld [tilespmem:s1+$0x60]  }
0x3e: {  	[tilespmem:s1+$0x0] =	vst v1;
	v5 =	vmul.f32 $8.000000000e+00, v4;
	v4 =	vld [tilespmem:s1+$0x70]  }
0x3f: {  	s1 =	sadd.s32 $0x100, s1;
	v1 =	vld [tilespmem:s28+$0xFFFFFFF0];
	[tilespmem:s28+$0x10] =	vst v7;
	v6 =	vmul.f32 $8.000000000e+00, v6  }
0x40: {  	[tilespmem:s28+$0x20] =	vst v5;
	v0 =	vmul.f32 $8.000000000e+00, v0  }
0x41: {  	[tilespmem:s28+$0x30] =	vst v6;
	v2 =	vmul.f32 $8.000000000e+00, v2  }
0x42: {  	[tilespmem:s28+$0x40] =	vst v0;
	v0 =	vmul.f32 $8.000000000e+00, v3  }
0x43: {  	s30 =	sshll.u32 s26, $0x8;
	[tilespmem:s28+$0x50] =	vst v2;
	v2 =	vmul.f32 $8.000000000e+00, v4  }
0x44: {  	s0 =	sor.u32 s4, s30;
	v1 =	vmul.f32 $8.000000000e+00, v1;
	[tilespmem:s28+$0x60] =	vst v0  }
0x45: {  	s0 =	sshrl.u32 s0, $0x3;
	[tilespmem:s28+$0x70] =	vst v2  }
0x46: {  	s0 =	sadd.s32 s2, s0;
	[tilespmem:s28+$0xFFFFFFF0] =	vst v1;
	s28 =	sshllo.u32 s26, $0x2  }
0x47: {  	[hbm4b:s0+s19] =	stream.strided.scatter [tilespmem:s14], [sflag:$0x5], $0x2000, s20, s19, $0x38;
	[tilespmem:$0xE400] =	vst v63  }
0x48: {  	s1 =	sshll.u32 s26, $0x9;
	s10 =	sshll.u32 s28, $0x7;
	_ =	swait.ge [sflag:s12], $0x2000  }
0x49: {  	s1 =	sand.u32 $0x7C00, s1;
	s0 =	sand.u32 $0x380, s10;
	[sflag:s12] =	ssyncset.done $0x0  }
0x4a: {  	s0 =	sor.u32 s0, s1;
	[sflag:s12] =	ssyncadd.s32 $0xFFFFE000  }
0x4b: {  	[tilespmem:s21], [sflag:$0x4] =	stream.indirect.gather [hbm4b:s5+s13], $0x40, s0, s13, $0xb8;
	[tilespmem:$0xE400] =	vst v63  }
0x4c: {  	_ =	swait.ge [sflag:s22], $0x2000  }
0x4d: {  	[sflag:s22] =	ssyncset.done $0x0  }
0x4e: {  	s31 =	simm.s32 $0x8480;
	[sflag:s22] =	ssyncadd.s32 $0xFFFFE000  }
0x4f: {  	v0 =	vld [tilespmem:s31+$0xFFFFFF80]  }
0x50: {  	v1 =	vld [tilespmem:s31+$0xFFFFFF90]  }
0x51: {  	v2 =	vld [tilespmem:s31+$0xFFFFFFA0]  }
0x52: {  	v3 =	vld [tilespmem:s31+$0xFFFFFFB0]  }
0x53: {  	v4 =	vld [tilespmem:s31+$0xFFFFFFC0]  }
0x54: {  	v5 =	vld [tilespmem:s31+$0xFFFFFFD0];
	v0 =	vmul.f32 $8.000000000e+00, v0  }
0x55: {  	v6 =	vld [tilespmem:s31+$0xFFFFFFE0];
	v1 =	vmul.f32 $8.000000000e+00, v1  }
0x56: {  	[tilespmem:s31+$0xFFFFFF80] =	vst v0;
	v0 =	vmul.f32 $8.000000000e+00, v2;
	v2 =	vld [tilespmem:s31+$0x0]  }
0x57: {  	[tilespmem:s31+$0xFFFFFF90] =	vst v1;
	v1 =	vmul.f32 $8.000000000e+00, v3;
	v3 =	vld [tilespmem:s31+$0x10]  }
0x58: {  	[tilespmem:s31+$0xFFFFFFA0] =	vst v0;
	v0 =	vmul.f32 $8.000000000e+00, v4;
	v4 =	vld [tilespmem:s31+$0x20]  }
0x59: {  	v7 =	vld [tilespmem:s31+$0x30];
	[tilespmem:s31+$0xFFFFFFB0] =	vst v1;
	v1 =	vmul.f32 $8.000000000e+00, v5  }
0x5a: {  	v5 =	vmul.f32 $8.000000000e+00, v6;
	[tilespmem:s31+$0xFFFFFFC0] =	vst v0;
	v0 =	vld [tilespmem:s31+$0x40]  }
0x5b: {  	[tilespmem:s31+$0xFFFFFFD0] =	vst v1;
	v1 =	vld [tilespmem:s31+$0x50];
	v2 =	vmul.f32 $8.000000000e+00, v2  }
0x5c: {  	[tilespmem:s31+$0xFFFFFFE0] =	vst v5;
	v6 =	vmul.f32 $8.000000000e+00, v3;
	v3 =	vld [tilespmem:s31+$0x60]  }
0x5d: {  	[tilespmem:s31+$0x0] =	vst v2;
	v5 =	vmul.f32 $8.000000000e+00, v4;
	v4 =	vld [tilespmem:s31+$0x70]  }
0x5e: {  	s29 =	sshll.u32 s26, $0x2;
	s1 =	simm.s32 $0x8580;
	s0 =	simm.s32 $0x0;
	v2 =	vld [tilespmem:s31+$0xFFFFFFF0];
	[tilespmem:s31+$0x10] =	vst v6;
	v6 =	vmul.f32 $8.000000000e+00, v7  }
.LBB2_5:
0x5f: {  	v7 =	vld [tilespmem:s1+$0xFFFFFF80];
	[tilespmem:s31+$0x20] =	vst v5;
	v0 =	vmul.f32 $8.000000000e+00, v0  }
0x60: {  	v5 =	vld [tilespmem:s1+$0xFFFFFF90];
	[tilespmem:s31+$0x30] =	vst v6;
	v1 =	vmul.f32 $8.000000000e+00, v1  }
0x61: {  	v6 =	vld [tilespmem:s1+$0xFFFFFFA0];
	[tilespmem:s31+$0x40] =	vst v0;
	v0 =	vmul.f32 $8.000000000e+00, v3  }
0x62: {  	v3 =	vld [tilespmem:s1+$0xFFFFFFB0];
	[tilespmem:s31+$0x50] =	vst v1;
	v1 =	vmul.f32 $8.000000000e+00, v4  }
0x63: {  	v4 =	vld [tilespmem:s1+$0xFFFFFFC0];
	v2 =	vmul.f32 $8.000000000e+00, v2;
	[tilespmem:s31+$0x60] =	vst v0  }
0x64: {  	v0 =	vmul.f32 $8.000000000e+00, v7;
	v7 =	vld [tilespmem:s1+$0xFFFFFFD0];
	[tilespmem:s31+$0x70] =	vst v1  }
0x65: {  	v1 =	vmul.f32 $8.000000000e+00, v5;
	v5 =	vld [tilespmem:s1+$0xFFFFFFE0];
	[tilespmem:s31+$0xFFFFFFF0] =	vst v2;
	s31 =	smov.u32 s1  }
0x66: {  	[tilespmem:s1+$0xFFFFFF80] =	vst v0;
	v0 =	vmul.f32 $8.000000000e+00, v6;
	v2 =	vld [tilespmem:s1+$0x0]  }
0x67: {  	[tilespmem:s1+$0xFFFFFF90] =	vst v1;
	v1 =	vmul.f32 $8.000000000e+00, v3;
	v3 =	vld [tilespmem:s1+$0x10]  }
0x68: {  	s0 =	sadd.s32 $0x4, s0;
	[tilespmem:s1+$0xFFFFFFA0] =	vst v0;
	v0 =	vmul.f32 $8.000000000e+00, v4;
	v4 =	vld [tilespmem:s1+$0x20]  }
0x69: {  	p0 =	slt.u32 s0, $0x7C;
	[tilespmem:s1+$0xFFFFFFB0] =	vst v1;
	v1 =	vmul.f32 $8.000000000e+00, v7;
	v6 =	vld [tilespmem:s1+$0x30]  }
.Ltmp3:
0x6a: {  	[tilespmem:s1+$0xFFFFFFC0] =	vst v0;
	v5 =	vmul.f32 $8.000000000e+00, v5;
	v0 =	vld [tilespmem:s1+$0x40];
	(pc) =	sbr.rel @p0 .LBB2_5-.Ltmp3, $4  }
0x6b: {  	[tilespmem:s1+$0xFFFFFFD0] =	vst v1;
	v2 =	vmul.f32 $8.000000000e+00, v2;
	v1 =	vld [tilespmem:s1+$0x50]  }
0x6c: {  	[tilespmem:s1+$0xFFFFFFE0] =	vst v5;
	v7 =	vmul.f32 $8.000000000e+00, v3;
	v3 =	vld [tilespmem:s1+$0x60]  }
0x6d: {  	[tilespmem:s1+$0x0] =	vst v2;
	v5 =	vmul.f32 $8.000000000e+00, v4;
	v4 =	vld [tilespmem:s1+$0x70]  }
0x6e: {  	s1 =	sadd.s32 $0x100, s1;
	v2 =	vld [tilespmem:s31+$0xFFFFFFF0];
	[tilespmem:s31+$0x10] =	vst v7;
	v6 =	vmul.f32 $8.000000000e+00, v6  }
0x6f: {  	[tilespmem:s31+$0x20] =	vst v5;
	v0 =	vmul.f32 $8.000000000e+00, v0  }
0x70: {  	[tilespmem:s31+$0x30] =	vst v6;
	v1 =	vmul.f32 $8.000000000e+00, v1  }
0x71: {  	[tilespmem:s31+$0x40] =	vst v0;
	v0 =	vmul.f32 $8.000000000e+00, v3  }
0x72: {  	[tilespmem:s31+$0x50] =	vst v1;
	v1 =	vmul.f32 $8.000000000e+00, v4  }
0x73: {  	s0 =	sor.u32 s7, s30;
	v2 =	vmul.f32 $8.000000000e+00, v2;
	[tilespmem:s31+$0x60] =	vst v0  }
0x74: {  	s0 =	sshrl.u32 s0, $0x3;
	[tilespmem:s31+$0x70] =	vst v1  }
0x75: {  	p0 =	seq.s32 s26, $0x31;
	s0 =	sadd.s32 s2, s0;
	[tilespmem:s31+$0xFFFFFFF0] =	vst v2  }
0x76: {  	[hbm4b:s0+s19] =	stream.strided.scatter [tilespmem:s15], [sflag:$0x5], $0x2000, s20, s19, $0x38;
	[tilespmem:$0xE400] =	vst v63  }
0x77: {  	s31 =	sshll.u32 @!p0 s29, $0x7;
	_ =	swait.ge [sflag:s12], $0x2000  }
0x78: {  	s1 =	simm.s32 @!p0 $0x80;
	s0 =	sadd.s32 @!p0 $0x200, s31;
	[sflag:s12] =	ssyncset.done $0x0  }
0x79: {  	s10 =	simm.s32 @!p0 $0x6400;
	s0 =	sand.u32 @!p0 $0xFE00, s0;
	[sflag:s12] =	ssyncadd.s32 $0xFFFFE000  }
0x7a: {  	[tilespmem:s10], [sflag:$0x1] =	stream.indirect.gather @!p0 [hbm4b:s5+s1], $0x40, s0, s1, $0xb8;
	[tilespmem:$0xE400] =	vst v63  }
0x7b: {  	_ =	swait.ge [sflag:s23], $0x2000  }
0x7c: {  	[sflag:s23] =	ssyncset.done $0x0  }
0x7d: {  	s0 =	simm.s32 $0xA480;
	[sflag:s23] =	ssyncadd.s32 $0xFFFFE000  }
0x7e: {  	v0 =	vld [tilespmem:s0+$0xFFFFFF80]  }
0x7f: {  	v1 =	vld [tilespmem:s0+$0xFFFFFF90]  }
0x80: {  	v2 =	vld [tilespmem:s0+$0xFFFFFFA0]  }
0x81: {  	v3 =	vld [tilespmem:s0+$0xFFFFFFB0]  }
0x82: {  	v4 =	vld [tilespmem:s0+$0xFFFFFFC0]  }
0x83: {  	v5 =	vld [tilespmem:s0+$0xFFFFFFD0];
	v0 =	vmul.f32 $8.000000000e+00, v0  }
0x84: {  	v6 =	vld [tilespmem:s0+$0xFFFFFFE0];
	v1 =	vmul.f32 $8.000000000e+00, v1  }
0x85: {  	[tilespmem:s0+$0xFFFFFF80] =	vst v0;
	v0 =	vmul.f32 $8.000000000e+00, v2;
	v2 =	vld [tilespmem:s0+$0x0]  }
0x86: {  	[tilespmem:s0+$0xFFFFFF90] =	vst v1;
	v1 =	vmul.f32 $8.000000000e+00, v3;
	v3 =	vld [tilespmem:s0+$0x10]  }
0x87: {  	[tilespmem:s0+$0xFFFFFFA0] =	vst v0;
	v0 =	vmul.f32 $8.000000000e+00, v4;
	v4 =	vld [tilespmem:s0+$0x20]  }
0x88: {  	v7 =	vld [tilespmem:s0+$0x30];
	[tilespmem:s0+$0xFFFFFFB0] =	vst v1;
	v1 =	vmul.f32 $8.000000000e+00, v5  }
0x89: {  	v5 =	vmul.f32 $8.000000000e+00, v6;
	[tilespmem:s0+$0xFFFFFFC0] =	vst v0;
	v0 =	vld [tilespmem:s0+$0x40]  }
0x8a: {  	[tilespmem:s0+$0xFFFFFFD0] =	vst v1;
	v1 =	vld [tilespmem:s0+$0x50];
	v2 =	vmul.f32 $8.000000000e+00, v2  }
0x8b: {  	[tilespmem:s0+$0xFFFFFFE0] =	vst v5;
	v6 =	vmul.f32 $8.000000000e+00, v3;
	v3 =	vld [tilespmem:s0+$0x60]  }
0x8c: {  	[tilespmem:s0+$0x0] =	vst v2;
	v5 =	vmul.f32 $8.000000000e+00, v4;
	v4 =	vld [tilespmem:s0+$0x70]  }
0x8d: {  	s1 =	simm.s32 $0x0;
	s10 =	simm.s32 $0xA580;
	v2 =	vld [tilespmem:s0+$0xFFFFFFF0];
	[tilespmem:s0+$0x10] =	vst v6;
	v6 =	vmul.f32 $8.000000000e+00, v7  }
.LBB2_7:
0x8e: {  	v7 =	vld [tilespmem:s10+$0xFFFFFF80];
	[tilespmem:s0+$0x20] =	vst v5;
	v0 =	vmul.f32 $8.000000000e+00, v0  }
0x8f: {  	v5 =	vld [tilespmem:s10+$0xFFFFFF90];
	[tilespmem:s0+$0x30] =	vst v6;
	v1 =	vmul.f32 $8.000000000e+00, v1  }
0x90: {  	v6 =	vld [tilespmem:s10+$0xFFFFFFA0];
	[tilespmem:s0+$0x40] =	vst v0;
	v0 =	vmul.f32 $8.000000000e+00, v3  }
0x91: {  	v3 =	vld [tilespmem:s10+$0xFFFFFFB0];
	[tilespmem:s0+$0x50] =	vst v1;
	v1 =	vmul.f32 $8.000000000e+00, v4  }
0x92: {  	v4 =	vld [tilespmem:s10+$0xFFFFFFC0];
	v2 =	vmul.f32 $8.000000000e+00, v2;
	[tilespmem:s0+$0x60] =	vst v0  }
0x93: {  	v0 =	vmul.f32 $8.000000000e+00, v7;
	v7 =	vld [tilespmem:s10+$0xFFFFFFD0];
	[tilespmem:s0+$0x70] =	vst v1  }
0x94: {  	v1 =	vmul.f32 $8.000000000e+00, v5;
	v5 =	vld [tilespmem:s10+$0xFFFFFFE0];
	[tilespmem:s0+$0xFFFFFFF0] =	vst v2;
	s0 =	smov.u32 s10  }
0x95: {  	[tilespmem:s10+$0xFFFFFF80] =	vst v0;
	v0 =	vmul.f32 $8.000000000e+00, v6;
	v2 =	vld [tilespmem:s10+$0x0]  }
0x96: {  	[tilespmem:s10+$0xFFFFFF90] =	vst v1;
	v1 =	vmul.f32 $8.000000000e+00, v3;
	v3 =	vld [tilespmem:s10+$0x10]  }
0x97: {  	s1 =	sadd.s32 $0x4, s1;
	[tilespmem:s10+$0xFFFFFFA0] =	vst v0;
	v0 =	vmul.f32 $8.000000000e+00, v4;
	v4 =	vld [tilespmem:s10+$0x20]  }
0x98: {  	p1 =	slt.u32 s1, $0x7C;
	[tilespmem:s10+$0xFFFFFFB0] =	vst v1;
	v1 =	vmul.f32 $8.000000000e+00, v7;
	v6 =	vld [tilespmem:s10+$0x30]  }
.Ltmp4:
0x99: {  	[tilespmem:s10+$0xFFFFFFC0] =	vst v0;
	v5 =	vmul.f32 $8.000000000e+00, v5;
	v0 =	vld [tilespmem:s10+$0x40];
	(pc) =	sbr.rel @p1 .LBB2_7-.Ltmp4, $4  }
0x9a: {  	[tilespmem:s10+$0xFFFFFFD0] =	vst v1;
	v2 =	vmul.f32 $8.000000000e+00, v2;
	v1 =	vld [tilespmem:s10+$0x50]  }
0x9b: {  	[tilespmem:s10+$0xFFFFFFE0] =	vst v5;
	v7 =	vmul.f32 $8.000000000e+00, v3;
	v3 =	vld [tilespmem:s10+$0x60]  }
0x9c: {  	[tilespmem:s10+$0x0] =	vst v2;
	v5 =	vmul.f32 $8.000000000e+00, v4;
	v4 =	vld [tilespmem:s10+$0x70]  }
0x9d: {  	s10 =	sadd.s32 $0x100, s10;
	v2 =	vld [tilespmem:s0+$0xFFFFFFF0];
	[tilespmem:s0+$0x10] =	vst v7;
	v6 =	vmul.f32 $8.000000000e+00, v6  }
0x9e: {  	[tilespmem:s0+$0x20] =	vst v5;
	v0 =	vmul.f32 $8.000000000e+00, v0  }
0x9f: {  	[tilespmem:s0+$0x30] =	vst v6;
	v1 =	vmul.f32 $8.000000000e+00, v1  }
0xa0: {  	[tilespmem:s0+$0x40] =	vst v0;
	v0 =	vmul.f32 $8.000000000e+00, v3  }
0xa1: {  	[tilespmem:s0+$0x50] =	vst v1;
	v1 =	vmul.f32 $8.000000000e+00, v4  }
0xa2: {  	s1 =	sor.u32 s8, s30;
	v2 =	vmul.f32 $8.000000000e+00, v2;
	[tilespmem:s0+$0x60] =	vst v0  }
0xa3: {  	s1 =	sshrl.u32 s1, $0x3;
	[tilespmem:s0+$0x70] =	vst v1  }
0xa4: {  	s10 =	sadd.s32 s2, s1;
	[tilespmem:s0+$0xFFFFFFF0] =	vst v2  }
0xa5: {  	[hbm4b:s10+s19] =	stream.strided.scatter [tilespmem:s17], [sflag:$0x5], $0x2000, s20, s19, $0x38;
	[tilespmem:$0xE400] =	vst v63  }
0xa6: {  	_ =	swait.ge [sflag:s12], $0x2000  }
0xa7: {  	s1 =	simm.s32 @!p0 $0x80;
	s0 =	sadd.s32 @!p0 $0x280, s31;
	[sflag:s12] =	ssyncset.done $0x0  }
0xa8: {  	s0 =	sand.u32 @!p0 $0xFE80, s0;
	s10 =	simm.s32 @!p0 $0x8400;
	[sflag:s12] =	ssyncadd.s32 $0xFFFFE000  }
0xa9: {  	[tilespmem:s10], [sflag:$0x2] =	stream.indirect.gather @!p0 [hbm4b:s5+s1], $0x40, s0, s1, $0xb8;
	[tilespmem:$0xE400] =	vst v63  }
0xaa: {  	_ =	swait.ge [sflag:s24], $0x2000  }
0xab: {  	[sflag:s24] =	ssyncset.done $0x0  }
0xac: {  	s30 =	simm.s32 $0xC480;
	[sflag:s24] =	ssyncadd.s32 $0xFFFFE000  }
0xad: {  	v0 =	vld [tilespmem:s30+$0xFFFFFF80]  }
0xae: {  	v1 =	vld [tilespmem:s30+$0xFFFFFF90]  }
0xaf: {  	v2 =	vld [tilespmem:s30+$0xFFFFFFA0]  }
0xb0: {  	v3 =	vld [tilespmem:s30+$0xFFFFFFB0]  }
0xb1: {  	v4 =	vld [tilespmem:s30+$0xFFFFFFC0]  }
0xb2: {  	v5 =	vld [tilespmem:s30+$0xFFFFFFD0];
	v0 =	vmul.f32 $8.000000000e+00, v0  }
0xb3: {  	v6 =	vld [tilespmem:s30+$0xFFFFFFE0];
	v1 =	vmul.f32 $8.000000000e+00, v1  }
0xb4: {  	[tilespmem:s30+$0xFFFFFF80] =	vst v0;
	v0 =	vmul.f32 $8.000000000e+00, v2;
	v2 =	vld [tilespmem:s30+$0x0]  }
0xb5: {  	[tilespmem:s30+$0xFFFFFF90] =	vst v1;
	v1 =	vmul.f32 $8.000000000e+00, v3;
	v3 =	vld [tilespmem:s30+$0x10]  }
0xb6: {  	[tilespmem:s30+$0xFFFFFFA0] =	vst v0;
	v0 =	vmul.f32 $8.000000000e+00, v4;
	v4 =	vld [tilespmem:s30+$0x20]  }
0xb7: {  	v7 =	vld [tilespmem:s30+$0x30];
	[tilespmem:s30+$0xFFFFFFB0] =	vst v1;
	v1 =	vmul.f32 $8.000000000e+00, v5  }
0xb8: {  	v5 =	vmul.f32 $8.000000000e+00, v6;
	[tilespmem:s30+$0xFFFFFFC0] =	vst v0;
	v0 =	vld [tilespmem:s30+$0x40]  }
0xb9: {  	[tilespmem:s30+$0xFFFFFFD0] =	vst v1;
	v1 =	vmul.f32 $8.000000000e+00, v2;
	v2 =	vld [tilespmem:s30+$0x50]  }
0xba: {  	[tilespmem:s30+$0xFFFFFFE0] =	vst v5;
	v6 =	vmul.f32 $8.000000000e+00, v3;
	v3 =	vld [tilespmem:s30+$0x60]  }
0xbb: {  	[tilespmem:s30+$0x0] =	vst v1;
	v5 =	vmul.f32 $8.000000000e+00, v4;
	v4 =	vld [tilespmem:s30+$0x70]  }
0xbc: {  	s0 =	simm.s32 $0x0;
	s1 =	simm.s32 $0xC580;
	v1 =	vld [tilespmem:s30+$0xFFFFFFF0];
	[tilespmem:s30+$0x10] =	vst v6;
	v6 =	vmul.f32 $8.000000000e+00, v7  }
.LBB2_9:
0xbd: {  	v7 =	vld [tilespmem:s1+$0xFFFFFF80];
	[tilespmem:s30+$0x20] =	vst v5;
	v0 =	vmul.f32 $8.000000000e+00, v0  }
0xbe: {  	v5 =	vld [tilespmem:s1+$0xFFFFFF90];
	[tilespmem:s30+$0x30] =	vst v6;
	v2 =	vmul.f32 $8.000000000e+00, v2  }
0xbf: {  	v6 =	vld [tilespmem:s1+$0xFFFFFFA0];
	[tilespmem:s30+$0x40] =	vst v0;
	v0 =	vmul.f32 $8.000000000e+00, v3  }
0xc0: {  	v3 =	vld [tilespmem:s1+$0xFFFFFFB0];
	[tilespmem:s30+$0x50] =	vst v2;
	v2 =	vmul.f32 $8.000000000e+00, v4  }
0xc1: {  	v4 =	vld [tilespmem:s1+$0xFFFFFFC0];
	v1 =	vmul.f32 $8.000000000e+00, v1;
	[tilespmem:s30+$0x60] =	vst v0  }
0xc2: {  	v0 =	vmul.f32 $8.000000000e+00, v7;
	v7 =	vld [tilespmem:s1+$0xFFFFFFD0];
	[tilespmem:s30+$0x70] =	vst v2  }
0xc3: {  	v2 =	vmul.f32 $8.000000000e+00, v5;
	v5 =	vld [tilespmem:s1+$0xFFFFFFE0];
	[tilespmem:s30+$0xFFFFFFF0] =	vst v1;
	s30 =	smov.u32 s1  }
0xc4: {  	[tilespmem:s1+$0xFFFFFF80] =	vst v0;
	v0 =	vmul.f32 $8.000000000e+00, v6;
	v1 =	vld [tilespmem:s1+$0x0]  }
0xc5: {  	[tilespmem:s1+$0xFFFFFF90] =	vst v2;
	v2 =	vmul.f32 $8.000000000e+00, v3;
	v3 =	vld [tilespmem:s1+$0x10]  }
0xc6: {  	s0 =	sadd.s32 $0x4, s0;
	[tilespmem:s1+$0xFFFFFFA0] =	vst v0;
	v0 =	vmul.f32 $8.000000000e+00, v4;
	v4 =	vld [tilespmem:s1+$0x20]  }
0xc7: {  	p1 =	slt.u32 s0, $0x7C;
	[tilespmem:s1+$0xFFFFFFB0] =	vst v2;
	v2 =	vmul.f32 $8.000000000e+00, v7;
	v6 =	vld [tilespmem:s1+$0x30]  }
.Ltmp5:
0xc8: {  	[tilespmem:s1+$0xFFFFFFC0] =	vst v0;
	v5 =	vmul.f32 $8.000000000e+00, v5;
	v0 =	vld [tilespmem:s1+$0x40];
	(pc) =	sbr.rel @p1 .LBB2_9-.Ltmp5, $4  }
0xc9: {  	[tilespmem:s1+$0xFFFFFFD0] =	vst v2;
	v1 =	vmul.f32 $8.000000000e+00, v1;
	v2 =	vld [tilespmem:s1+$0x50]  }
0xca: {  	[tilespmem:s1+$0xFFFFFFE0] =	vst v5;
	v7 =	vmul.f32 $8.000000000e+00, v3;
	v3 =	vld [tilespmem:s1+$0x60]  }
0xcb: {  	[tilespmem:s1+$0x0] =	vst v1;
	v5 =	vmul.f32 $8.000000000e+00, v4;
	v4 =	vld [tilespmem:s1+$0x70]  }
0xcc: {  	s1 =	sadd.s32 $0x100, s1;
	v1 =	vld [tilespmem:s30+$0xFFFFFFF0];
	[tilespmem:s30+$0x10] =	vst v7;
	v6 =	vmul.f32 $8.000000000e+00, v6  }
0xcd: {  	[tilespmem:s30+$0x20] =	vst v5;
	v0 =	vmul.f32 $8.000000000e+00, v0  }
0xce: {  	[tilespmem:s30+$0x30] =	vst v6;
	v2 =	vmul.f32 $8.000000000e+00, v2  }
0xcf: {  	[tilespmem:s30+$0x40] =	vst v0;
	v62 =	vmul.f32 $8.000000000e+00, v3  }
0xd0: {  	s0 =	sshll.u32 s28, $0x6;
	[tilespmem:s30+$0x50] =	vst v2;
	v63 =	vmul.f32 $8.000000000e+00, v4  }
0xd1: {  	s0 =	sadd.s32 s4, s0;
	v1 =	vmul.f32 $8.000000000e+00, v1;
	[tilespmem:s30+$0x60] =	vst v62  }
0xd2: {  	s0 =	sshrl.u32 s0, $0x3;
	[tilespmem:s30+$0x70] =	vst v63  }
.Ltmp6:
0xd3: {  	s0 =	sadd.s32 s2, s0;
	[tilespmem:s30+$0xFFFFFFF0] =	vst v1;
	(pc) =	sbr.rel @p0 .LBB2_12-.Ltmp6, $4  }
0xd4: {  	[hbm4b:s0+s19] =	stream.strided.scatter [tilespmem:s21], [sflag:$0x5], $0x2000, s20, s19, $0x38;
	[tilespmem:$0xE400] =	vst v63  }
0xd5: {  	_ =	swait.ge [sflag:s12], $0x2000  }
0xd6: {  	[sflag:s12] =	ssyncset.done $0x0  }
0xd7: {  	[sflag:s12] =	ssyncadd.s32 $0xFFFFE000  }
.Ltmp7:
0xd8: {  	(pc) =	sbr.rel .LBB2_2-.Ltmp7, $4  }
0xd9: {  	s0 =	sshll.u32 s29, $0x7  }
0xda: {  	s0 =	sadd.s32 $0x300, s0  }
0xdb: {  	s26 =	sadd.s32 $0x1, s26;
	s0 =	sand.u32 $0xFF00, s0  }
0xdc: {  	[tilespmem:s17], [sflag:$0x3] =	stream.indirect.gather [hbm4b:s5+s13], $0x40, s0, s13, $0xb8;
	[tilespmem:$0xE400] =	vst v63  }
.LBB2_13:
0xdd: {  	_ =	sfence.sel $0x180000  }
0xde: {  	[bflag:$0x0] =	sbarrier.arrive $0xFFFF  }
0xdf: {  	_ =	strace $0x90000047  }
0xe0: {  	s0 =	stileid.u32;
	[bflag:$0x2] =	sbarrier.arrive $0xFFFF  }
0xe1: {  	p0 =	sne.s32 s0, $0x0;
	s0 =	rddreg [dreg:$0x3]  }
0xe2: {  	s0 =	sadd.s32 @!p0 $0x100000, s0  }
0xe3: {  	[sflag:s0] =	ssyncadd.tile.s32 @!p0 $0x1;
	_ =	shalt  }
.Lfunc_end2:
_tile_overlayer_lowered:
.L_overlay_start_2:
0xe4: {  	(tag) =	ssettag $0x2  }
0xe5: {  	s0 =	rddreg [dreg:$0x0];
	s2 =	stileid.u32  }
0xe6: {  	s1 =	rddreg [dreg:$0x1];
	p0 =	sne.s32 s2, $0x0  }
0xe7: {  	s3 =	rddreg [dreg:$0x2];
	[bflag:$0x3] =	sbarrier.arrive $0xFFFF;
	s2 =	simm.s32 @!p0 $0x1C05  }
0xe8: {  	[timem:s3], [sflag:s2] =	dma.local @!p0 [hbm:s0], s1  }
0xe9: {  	s0 =	simm.s32 @!p0 $0x5  }
0xea: {  	_ =	swait.ge @!p0 [sflag:s0], s1  }
0xeb: {  	s1 =	ssub.s32 @!p0 $0x0, s1;
	[sflag:s0] =	ssyncset.done @!p0 $0x0  }
0xec: {  	[sflag:s0] =	ssyncadd.s32 @!p0 s1  }
0xed: {  	[bflag:$0x3] =	sbarrier.arrive $0xFFFF  }
0xee: {  	_ =	shalt  }

// kernel: sparse-core-data-format-call.cloned.1.call-start
scs
called_computation_lowered:
.L_overlay_start_0:
0x0: {  	s2 =	sld [smem:$0x3FD9]  }
0x1: {  	s3 =	sld [smem:$0x3FFE];
	_ =	sdelay $0x1  }
0x2: {  	s1 =	srdreg.scid  }
0x3: {  	s0 =	sand.u32 $0x1, s1  }
0x4: {  	s18 =	sshll.u32 s0, $0xA;
	s2 =	sadd.s32 s3, s2  }
0x5: {  	s2 =	sadd.s32 s2, s18  }
0x6: {  	[smem:$0x3FC6] =	sst s2  }
0x7: {  	_ = 	snop  }
0x8: {  	s2 =	sld [smem:$0x3FD0];
	(tm) =	ssettm $0x1  }
0x9: {  	s19 =	sld [smem:$0x3FFB];
	_ =	sdelay $0x3  }
0xa: {  	_ =	strace s19  }
0xb: {  	s3 =	sld [smem:$0x3FFC];
	_ =	sdelay $0x3  }
0xc: {  	_ =	strace s3  }
0xd: {  	s3 =	sld [smem:$0x3FFD];
	_ =	sdelay $0x3  }
0xe: {  	_ =	strace s3  }
0xf: {  	_ =	strace $0x8FFFFFFF  }
0x10: {  	s20 =	sld [smem:$0x3FDB];
	_ =	sdelay $0x1  }
0x11: {  	s4 =	simm.s32 $_scs_section_size  }
0x12: {  	s5 =	simm.s32 $_size__tile_overlayer_lowered;
	s6 =	simm.s32 $_tile_overlayer_lowered  }
0x13: {  	s23 =	simm.s32 $0x1BFF;
	s22 =	sshll.u32 s6, $0x1;
	s3 =	sadd.s32 s4, s20  }
0x14: {  	s7 =	simm.s32 $0x0;
	s21 =	sshll.u32 s5, $0x1;
	s5 =	sadd.s32 s22, s3  }
0x15: {  	[timem:s7], [sflag:s23] =	dma.local [hbm:s5], s21  }
0x16: {  	_ =	swait.ge [sflag:s23], s21  }
0x17: {  	s4 =	ssub.s32 $0x0, s21;
	[sflag:s23] =	ssyncset.done $0x0  }
0x18: {  	[sflag:s23] =	ssyncadd.s32 s4;
	_ =	sdelay $0x1  }
0x19: {  	s24 =	simm.s32 $0x1B8B  }
0x1a: {  	_ =	swait.ge [sflag:s24], $0x1  }
0x1b: {  	[sflag:s24] =	ssyncset.done $0x0  }
0x1c: {  	s26 =	simm.s32 $0x1B8E;
	s25 =	sld [smem:$0x3FFE];
	[sflag:s24] =	ssyncadd.s32 $0xFFFFFFFF  }
0x1d: {  	s27 =	simm.s32 $execute0_lowered;
	[smem:$0x3FD2] =	sst s26  }
0x1e: {  	s5 =	sshll.u32 s27, $0x1;
	_ =	strace $0x80000049;
	[dreg:$0x1] =	wrdreg $0xFFFFFFFF  }
0x1f: {  	s28 =	simm.s32 $_size_execute0_lowered;
	s3 =	sadd.s32 s3, s5;
	[dreg:$0x0] =	wrdreg $0x0  }
0x20: {  	s5 =	sshll.u32 s28, $0x1;
	[dreg:$0x2] =	wrdreg s3  }
0x21: {  	[dreg:$0x3] =	wrdreg s5  }
0x22: {  	[dreg:$0x4] =	wrdreg $0xC0  }
0x23: {  	_ =	task [dreg:s7], $0x5FFFF  }
0x24: {  	[dreg:$0x1] =	wrdreg $0xFFFFFFFF  }
0x25: {  	[dreg:$0x0] =	wrdreg $0x60  }
0x26: {  	[dreg:$0x2] =	wrdreg s25  }
0x27: {  	[dreg:$0x3] =	wrdreg s2  }
0x28: {  	[dreg:$0x4] =	wrdreg $0x9  }
0x29: {  	_ =	task.clear_ibuf [dreg:s7], $0x5FFFF;
	_ =	strace $0x90000049  }
0x2a: {  	s29 =	simm.s32 $0x9;
	_ =	strace $0x8000004B  }
0x2b: {  	_ =	swait.ge [sflag:s29], $0x1  }
0x2c: {  	[sflag:s29] =	ssyncadd.s32 $0xFFFFFFFF  }
0x2d: {  	_ =	strace $0x9000004B  }
0x2e: {  	_ =	sfence  }
0x2f: {  	s30 =	sld [smem:$0x0];
	_ =	sdelay $0x2  }
0x30: {  	s31 =	sshll.u32 s1, $0xD;
	s1 =	sshrl.u32 s1, $0x2  }
0x31: {  	s3 =	sand.u32 $0x4000, s31;
	s1 =	sadd.s32 s1, s30  }
0x32: {  	s0 =	sor.u32 s3, s0;
	s1 =	sshll.u32 s1, $0x11  }
0x33: {  	s0 =	sor.u32 s1, s0  }
0x34: {  	s0 =	sadd.s32 $0x8F2B, s0  }
0x35: {  	[sflag:s0] =	ssyncadd.remote.s32 $0x1  }
0x36: {  	_ =	sfence.sel $0xFFFF  }
0x37: {  	[dreg:$0x0] =	wrdreg $0xFFFFFFFF;
	(pc) =	sbr.abs _section_cstart, $3  }
0x38: {  	[dreg:$0x1] =	wrdreg $0xFFFFFFFF  }
0x39: {  	_ =	task.clear_ibuf [dreg:s7], $0x2FFFF;
	_ =	strace $0x9FFFFFFF  }
0x3a: {  	(tm) =	ssettm $0x7FFFFFFF  }
0x3b: {  	_ =	shalt  }
tec
execute0_lowered:
.L_overlay_start_1:
0x0: {  	(tag) =	ssettag $0x1  }
0x1: {  	s0 =	srdreg.scid  }
0x2: {  	s1 =	sshll.u32 s0, $0x4  }
0x3: {  	s0 =	stileid.u32;
	s1 =	sand.u32 $0x10, s1  }
0x4: {  	s1 =	sor.u32 s0, s1  }
0x5: {  	s6 =	rddreg [dreg:$0x0];
	s4 =	simm.s32 $0x1;
	s2 =	sshll.u32 s1, $0x7  }
0x6: {  	s7 =	simm.s32 $0x2;
	s12 =	simm.s32 $0x0;
	s1 =	ssub.s32 $0x1000, s2  }
0x7: {  	s8 =	simm.s32 $0x8000;
	s13 =	simm.s32 $0x0;
	s3 =	sand.u32 $0xF80, s1  }
0x8: {  	s9 =	simm.s32 $0x0;
	s5 =	sshrl.u32 s1, $0xC;
	p0 =	sne.s32 s3, $0x0  }
.Ltmp0:
0x9: {  	s1 =	rddreg [dreg:$0x2];
	s4 =	simm.s32 @!p0 $0x0;
	(pc) =	sbr.rel .LBB1_1-.Ltmp0, $4  }
0xa: {  	s11 =	simm.s32 $0x0;
	s3 =	rddreg [dreg:$0x1];
	s5 =	sadd.s32 s4, s5  }
0xb: {  	_ =	strace $0x8000004A;
	s4 =	simm.s32 $0x1;
	s5 =	smul.u32 $0xC8, s5  }
0xc: {  	s6 =	sadd.s32 $0x800, s6;
	s10 =	smov.u32 s2;
	[sflag:s4] =	ssyncpa.u1 $0x0  }
0xd: {  	p0 =	por $0x0, $0x0;
	[sflag:s7] =	ssyncpa.u1 $0x0;
	s7 =	sor.u32 $0x1, s5  }
.LBB1_4:
0xe: {  	s16 =	sshll.u32 s13, $0x3;
	s17 =	sand.u32 $0x78, s13  }
0xf: {  	s30 =	sand.u32 $0x7E00, s13;
	s12 =	sshll.u32 s12, $0xF;
	s16 =	sand.u32 $0xC00, s16  }
0x10: {  	[tilespmem:s15+$0x810 ss:$0x81] =	vst.msk $0xffff, v2;
	s31 =	sand.u32 $0x7, s13;
	s16 =	sor.u32 s17, s16;
	s17 =	sadd.s32 s3, s30  }
0x11: {  	[tilespmem:s15+$0x1020 ss:$0x81] =	vst.msk $0xffff, v0;
	s13 =	sshll.u32 s31, $0x12;
	s12 =	sadd.s32 s12, s17;
	s16 =	sshrl.u32 s16, $0x3  }
0x12: {  	[tilespmem:s15+$0x0 ss:$0x81] =	vst.msk $0xffff, v1;
	s13 =	sor.u32 $0x400, s13;
	s12 =	sadd.s32 s16, s12  }
0x13: {  	[hbm4b:s12+s13] =	stream.strided.scatter [tilespmem:s14], [sflag:$0x2], $0x2000, s8, s13, $0x20;
	[tilespmem:$0x8080] =	vst v63  }
.LBB1_5:
0x14: {  	s14 =	sadd.s32 $0x1, s9  }
0x15: {  	s12 =	sadd.s32 $0x1000, s10;
	s16 =	smov.u32 s10;
	p2 =	sgt.s32 s14, $0xC7  }
0x16: {  	s16 =	smov.u32 @p2 s12  }
0x17: {  	s14 =	simm.s32 @p2 $0x0;
	p2 =	sgt.s32 s16, $0xFFF  }
0x18: {  	s16 =	smov.u32 @p2 s2;
	p2 =	sne.s32 s11, s7  }
.Ltmp1:
0x19: {  	p1 =	slt.u32 s11, $0x2;
	(pc) =	sbr.rel @!p2 .LBB1_6-.Ltmp1, $4  }
0x1a: {  	s15 =	simm.s32 @!p1 $0x2  }
0x1b: {  	s13 =	smov.u32 s10;
	p0 =	por !p0, !p0;
	_ =	swait.ge @!p1 [sflag:s15], $0x2000  }
0x1c: {  	s12 =	smov.u32 s9;
	[sflag:s15] =	ssyncset.done @!p1 $0x0;
	s9 =	smov.u32 s14  }
0x1d: {  	s11 =	sadd.s32 $0x1, s11;
	[sflag:s15] =	ssyncadd.s32 @!p1 $0xFFFFE000;
	s10 =	smov.u32 s16  }
.LBB1_1:
0x1e: {  	p1 =	sge.u32 s11, s5  }
0x1f: {  	s14 =	sand.u32 @!p1 $0x1FFFFFF, s9  }
0x20: {  	s15 =	smulhi.u32 @!p1 $0x147AE15, s14;
	_ =	sdelay $0x1  }
0x21: {  	s15 =	smul.u32 @!p1 $0xC8, s15  }
0x22: {  	s16 =	sxor.u32 @!p1 $0xFFFFFFFF, s11;
	s17 =	smul.u32 @!p1 $0xC80, s10  }
0x23: {  	s31 =	sadd.s32 $0xFFFFFFFF, s11;
	s16 =	sshll.u32 @!p1 s16, $0xD;
	s14 =	ssub.s32 @!p1 s14, s15  }
0x24: {  	s15 =	sand.u32 @!p1 $0x2000, s16;
	s16 =	sadd.s32 @!p1 s6, s17;
	s14 =	sshll.u32 @!p1 s14, $0x4  }
0x25: {  	s17 =	simm.s32 @!p1 $0x6400;
	s14 =	sadd.s32 @!p1 s14, s16;
	s16 =	simm.s32 @!p1 $0x40  }
0x26: {  	[tilespmem:s15], [sflag:$0x1] =	stream.strided.gather @!p1 [hbm4b:s14+s16], $0x2000, s17, s16, $0x38;
	[tilespmem:$0x8080] =	vst v63  }
0x27: {  	p1 =	sge.u32 s31, s5  }
.Ltmp2:
0x28: {  	_ = 	snop;
	(pc) =	sbr.rel @p1 .LBB1_5-.Ltmp2, $1  }
0x29: {  	_ =	sdelay $0x3  }
0x2a: {  	s14 =	simm.s32 $0x1  }
0x2b: {  	_ =	swait.ge [sflag:s4], $0x2000;
	s14 =	simm.s32 @!p0 $0x0  }
0x2c: {  	[sflag:s4] =	ssyncset.done $0x0;
	s15 =	sshll.u32 s14, $0xD  }
0x2d: {  	[sflag:s4] =	ssyncadd.s32 $0xFFFFE000;
	s18 =	sor.u32 $0x20, s15  }
0x2e: {  	s14 =	smul.u32 $0x8100, s14;
	v3 =	vld [tilespmem:s18+$0x10]  }
0x2f: {  	s30 =	sand.u32 $0x1, s11;
	v2 =	vld [tilespmem:s18+$0xFFFFFFF0]  }
0x30: {  	s15 =	smul.u32 $0x8100, s30;
	s14 =	sshrl.u32 s14, $0x2;
	v0 =	vld [tilespmem:s18+$0x0]  }
0x31: {  	v1 =	vld [tilespmem:s18+$0xFFFFFFE0];
	s16 =	sor.u32 $0x4000, s14  }
0x32: {  	s31 =	sshrl.u32 s15, $0x2;
	s15 =	sadd.s32 $0x0, s16  }
0x33: {  	s17 =	simm.s32 $0x4;
	s18 =	sadd.s32 $0x40, s18;
	s14 =	sor.u32 $0x4000, s31;
	[tilespmem:s15+$0x1830 ss:$0x81] =	vst.msk $0xffff, v3  }
.LBB1_3:
0x34: {  	v3 =	vld [tilespmem:s18+$0x10];
	p1 =	sne.s32 s17, $0x1FC;
	[tilespmem:s15+$0x810 ss:$0x81] =	vst.msk $0xffff, v2;
	s19 =	smov.u32 s17;
	s17 =	sadd.s32 $0x4, s17  }
.Ltmp3:
0x35: {  	v2 =	vld [tilespmem:s18+$0xFFFFFFF0];
	[tilespmem:s15+$0x1020 ss:$0x81] =	vst.msk $0xffff, v0;
	(pc) =	sbr.rel @p1 .LBB1_3-.Ltmp3, $4  }
0x36: {  	v0 =	vld [tilespmem:s18+$0x0];
	[tilespmem:s15+$0x0 ss:$0x81] =	vst.msk $0xffff, v1  }
0x37: {  	s15 =	sshra.s32 s19, $0x2;
	v1 =	vld [tilespmem:s18+$0xFFFFFFE0]  }
0x38: {  	s15 =	sadd.s32 s15, s16  }
0x39: {  	s18 =	sadd.s32 $0x40, s18;
	[tilespmem:s15+$0x1830 ss:$0x81] =	vst.msk $0xffff, v3  }
.Ltmp4:
0x3a: {  	_ = 	snop;
	(pc) =	sbr.rel .LBB1_4-.Ltmp4, $1  }
0x3b: {  	_ =	sdelay $0x3  }
.LBB1_6:
0x3c: {  	_ =	sfence.sel $0x180000  }
0x3d: {  	s2 =	simm.s32 $0x1;
	[bflag:$0x0] =	sbarrier.arrive $0xFFFF  }
0x3e: {  	s31 =	simm.s32 $0x2;
	[sflag:s2] =	ssyncpa.u1 $0x1  }
0x3f: {  	[sflag:s31] =	ssyncpa.u1 $0x1  }
0x40: {  	p0 =	sne.s32 s0, $0x0;
	_ =	strace $0x9000004A  }
0x41: {  	s0 =	sadd.s32 @!p0 $0x100000, s1;
	[bflag:$0x2] =	sbarrier.arrive $0xFFFF  }
0x42: {  	[sflag:s0] =	ssyncadd.tile.s32 @!p0 $0x1;
	_ =	shalt  }
.Lfunc_end1:
_tile_overlayer_lowered:
.L_overlay_start_2:
0x43: {  	(tag) =	ssettag $0x2  }
0x44: {  	s0 =	rddreg [dreg:$0x0];
	s2 =	stileid.u32  }
0x45: {  	s1 =	rddreg [dreg:$0x1];
	p0 =	sne.s32 s2, $0x0  }
0x46: {  	s3 =	rddreg [dreg:$0x2];
	[bflag:$0x3] =	sbarrier.arrive $0xFFFF;
	s2 =	simm.s32 @!p0 $0x1C01  }
0x47: {  	[timem:s3], [sflag:s2] =	dma.local @!p0 [hbm:s0], s1  }
0x48: {  	s0 =	simm.s32 @!p0 $0x1  }
0x49: {  	_ =	swait.ge @!p0 [sflag:s0], s1  }
0x4a: {  	s1 =	ssub.s32 @!p0 $0x0, s1;
	[sflag:s0] =	ssyncset.done @!p0 $0x0  }
0x4b: {  	[sflag:s0] =	ssyncadd.s32 @!p0 s1  }
0x4c: {  	[bflag:$0x3] =	sbarrier.arrive $0xFFFF  }
0x4d: {  	_ =	shalt  }

</sc_bundles>
